<compile_context>
chip_gen: v7x
topology: tpu7x:2x2x1
jax: 0.10.2.dev20260603
libtpu: 0.0.44.dev20260713+nightly
codegen_flags: <defaults>
</compile_context>

<pallas_src>
import jax
import jax.numpy as jnp
from jax import lax
from jax.experimental import pallas as pl
from jax.experimental.pallas import tpu as pltpu
from jax.experimental.pallas import tpu_sc as plsc

VOCAB = 1000000
EMB_DIM = 64
BATCH = 4096
HIST = 50

NC = 2
NS = 16
NW = NC * NS

TOTAL = BATCH * HIST
CHUNK = 256
NCHUNKS = TOTAL // CHUNK
CPW = NCHUNKS // NW

NBUF = 5
AHEAD = NBUF - 1

_mesh = plsc.VectorSubcoreMesh(core_axis_name="c", subcore_axis_name="s")


def _body(idx_hbm, table_hbm, out_hbm, idx_v, rows, gsems, osems):
    wid = lax.axis_index("s") * NC + lax.axis_index("c")
    c0 = wid * CPW

    pltpu.sync_copy(idx_hbm.at[wid], idx_v)

    def start_gather(j, b):
        pltpu.async_copy(table_hbm.at[idx_v.at[j]], rows[b], gsems[b])

    def wait_gather(j, b):
        pltpu.make_async_copy(table_hbm.at[idx_v.at[j]], rows[b], gsems[b]).wait()

    def start_out(j, b):
        pltpu.async_copy(rows[b], out_hbm.at[c0 + j], osems[b])

    def wait_out(j, b):
        pltpu.make_async_copy(rows[b], out_hbm.at[c0 + j], osems[b]).wait()

    for b in range(AHEAD):
        start_gather(b, b)

    @pl.loop(0, CPW, step=NBUF)
    def step(j0):
        for b in range(NBUF):
            j = j0 + b
            jn = j + AHEAD
            bn = (b + AHEAD) % NBUF

            @pl.when(jn < CPW)
            def _():
                if b == 0:
                    @pl.when(j >= 1)
                    def _():
                        wait_out(j - 1, bn)
                else:
                    wait_out(j - 1, bn)
                start_gather(jn, bn)

            wait_gather(j, b)
            start_out(j, b)

    for b in range(NBUF):
        wait_out(CPW - NBUF + b, b)


_gather = pl.kernel(
    _body,
    out_type=jax.ShapeDtypeStruct((NCHUNKS, CHUNK, EMB_DIM), jnp.float32),
    mesh=_mesh,
    scratch_types=[
        pltpu.VMEM((CPW, CHUNK), jnp.int32),
        [pltpu.VMEM((CHUNK, EMB_DIM), jnp.float32) for _ in range(NBUF)],
        [pltpu.SemaphoreType.DMA for _ in range(NBUF)],
        [pltpu.SemaphoreType.DMA for _ in range(NBUF)],
    ],
    compiler_params=pltpu.CompilerParams(use_tc_tiling_on_sc=False),
)


def kernel(src_seq, emb_weight):
    idx = src_seq.astype(jnp.int32).reshape(NW, CPW, CHUNK)
    out = _gather(idx, emb_weight)
    return out.reshape(BATCH, HIST, EMB_DIM)

# --- scband reference (transcript-rebuilt; emitter-appended) ---
"""Pipeline reference for scband-word-encoder-4647154614447 (READ-ONLY COPY).

The authoritative reference and input builder live on the scoring server;
editing this copy changes nothing except your own understanding.
"""

import jax, jax.numpy as jnp
import numpy as np

VOCAB = 1000000
EMB_DIM = 64
BATCH = 4096
HIST = 50

def setup_inputs(seed: int = 0) -> dict:
    key = jax.random.key(seed)
    k1, k2 = jax.random.split(key)
    src_seq = jax.random.randint(k1, (BATCH, HIST), 0, VOCAB, dtype=jnp.int64)
    emb_weight = jax.random.normal(k2, (VOCAB, EMB_DIM), dtype=jnp.float32)
    return {"src_seq": src_seq, "emb_weight": emb_weight}

def reference(src_seq, emb_weight):
    # Faithful translation of WordEncoder.forward: nn.Embedding lookup
    return jnp.take(emb_weight, src_seq, axis=0)

if __name__ == "__main__":
    import jax
    _d = setup_inputs()
    print(jax.jit(kernel)(*tuple(_d.values())))

</pallas_src>

<mosaic_0001>
#map = affine_map<(d0, d1) -> (0, 0, 0)>
#map1 = affine_map<(d0, d1) -> (0, 0)>
module attributes {stable_mosaic.version = 14 : i64} {
  func.func @_body(%arg0: i32, %arg1: i32, %arg2: memref<32x25x256xi32, #tpu.memory_space<hbm>>, %arg3: memref<1000000x64xf32, #tpu.memory_space<hbm>>, %arg4: memref<800x256x64xf32, #tpu.memory_space<hbm>>, %arg5: memref<25x256xi32, #tpu.memory_space<vmem>>, %arg6: memref<256x64xf32, #tpu.memory_space<vmem>>, %arg7: memref<256x64xf32, #tpu.memory_space<vmem>>, %arg8: memref<256x64xf32, #tpu.memory_space<vmem>>, %arg9: memref<256x64xf32, #tpu.memory_space<vmem>>, %arg10: memref<256x64xf32, #tpu.memory_space<vmem>>, %arg11: memref<!tpu.dma_semaphore, #tpu.memory_space<semaphore_mem>>, %arg12: memref<!tpu.dma_semaphore, #tpu.memory_space<semaphore_mem>>, %arg13: memref<!tpu.dma_semaphore, #tpu.memory_space<semaphore_mem>>, %arg14: memref<!tpu.dma_semaphore, #tpu.memory_space<semaphore_mem>>, %arg15: memref<!tpu.dma_semaphore, #tpu.memory_space<semaphore_mem>>, %arg16: memref<!tpu.dma_semaphore, #tpu.memory_space<semaphore_mem>>, %arg17: memref<!tpu.dma_semaphore, #tpu.memory_space<semaphore_mem>>, %arg18: memref<!tpu.dma_semaphore, #tpu.memory_space<semaphore_mem>>, %arg19: memref<!tpu.dma_semaphore, #tpu.memory_space<semaphore_mem>>, %arg20: memref<!tpu.dma_semaphore, #tpu.memory_space<semaphore_mem>>) attributes {dimension_semantics = [#tpu.dimension_semantics<core_parallel>, #tpu.dimension_semantics<subcore_parallel>], iteration_bounds = array<i64: 2, 16>, scalar_prefetch = 0 : i64, scratch_operands = 16 : i64, tpu.core_type = #tpu.core_type<sc_vector_subcore>, window_params = [{transform_indices = #map}, {transform_indices = #map1}, {transform_indices = #map}]} {
    %mul3A = arith.constant 2 : i32
    %mul3A_0 = arith.muli %arg1, %mul3A : i32
    %add3A = arith.addi %mul3A_0, %arg0 : i32
    %mul3A_1 = arith.constant 25 : i32
    %mul3A_2 = arith.muli %add3A, %mul3A_1 : i32
    "tpu.region"() ({
      %run_scoped3A = tpu.sem_alloc : memref<!tpu.dma_semaphore, #tpu.memory_space<semaphore_mem>>
      %dma_start3A_83 = arith.constant 0 : i32
      %dma_start3A_84 = arith.constant 0 : i32
      %dma_start3A_85 = tpu.memref_slice %arg2[%add3A, %dma_start3A_83, %dma_start3A_84] : memref<32x25x256xi32, #tpu.memory_space<hbm>> -> memref<1x25x256xi32, #tpu.memory_space<hbm>>
      %dma_start3A_86 = tpu.memref_squeeze %dma_start3A_85 : memref<1x25x256xi32, #tpu.memory_space<hbm>> -> memref<25x256xi32, #tpu.memory_space<hbm>>
      %dma_start3A_87 = arith.constant 0 : i32
      %dma_start3A_88 = arith.constant 0 : i32
      %dma_start3A_89 = tpu.memref_slice %arg2[%add3A, %dma_start3A_87, %dma_start3A_88] : memref<32x25x256xi32, #tpu.memory_space<hbm>> -> memref<1x25x256xi32, #tpu.memory_space<hbm>>
      %dma_start3A_90 = tpu.memref_squeeze %dma_start3A_89 : memref<1x25x256xi32, #tpu.memory_space<hbm>> -> memref<25x256xi32, #tpu.memory_space<hbm>>
      tpu.enqueue_dma source(%dma_start3A_90 : memref<25x256xi32, #tpu.memory_space<hbm>>) target(%arg5 : memref<25x256xi32, #tpu.memory_space<vmem>>) target_semaphore(%run_scoped3A : memref<!tpu.dma_semaphore, #tpu.memory_space<semaphore_mem>>)
      %dma_wait3A_91 = arith.constant 0 : i32
      %dma_wait3A_92 = arith.constant 0 : i32
      %dma_wait3A_93 = tpu.memref_slice %arg2[%add3A, %dma_wait3A_91, %dma_wait3A_92] : memref<32x25x256xi32, #tpu.memory_space<hbm>> -> memref<1x25x256xi32, #tpu.memory_space<hbm>>
      %dma_wait3A_94 = tpu.memref_squeeze %dma_wait3A_93 : memref<1x25x256xi32, #tpu.memory_space<hbm>> -> memref<25x256xi32, #tpu.memory_space<hbm>>
      %dma_wait3A_95 = arith.constant 0 : i32
      %dma_wait3A_96 = arith.constant 0 : i32
      %dma_wait3A_97 = tpu.memref_slice %arg2[%add3A, %dma_wait3A_95, %dma_wait3A_96] : memref<32x25x256xi32, #tpu.memory_space<hbm>> -> memref<1x25x256xi32, #tpu.memory_space<hbm>>
      %dma_wait3A_98 = tpu.memref_squeeze %dma_wait3A_97 : memref<1x25x256xi32, #tpu.memory_space<hbm>> -> memref<25x256xi32, #tpu.memory_space<hbm>>
      tpu.wait_dma2 semaphore(%run_scoped3A : memref<!tpu.dma_semaphore, #tpu.memory_space<semaphore_mem>>) src(%dma_wait3A_98 : memref<25x256xi32, #tpu.memory_space<hbm>>) dst(%arg5 : memref<25x256xi32, #tpu.memory_space<vmem>>)
      tpu.yield
    }) : () -> ()
    %dma_start3A = arith.constant 0 : i32
    %dma_start3A_3 = arith.constant 0 : i32
    %dma_start3A_4 = tpu.memref_slice %arg5[%dma_start3A, %dma_start3A_3] : memref<25x256xi32, #tpu.memory_space<vmem>> -> memref<1x256xi32, #tpu.memory_space<vmem>>
    %dma_start3A_5 = tpu.memref_squeeze %dma_start3A_4 : memref<1x256xi32, #tpu.memory_space<vmem>> -> memref<256xi32, #tpu.memory_space<vmem>>
    %dma_start3A_6 = arith.constant 0 : i32
    %dma_start3A_7 = arith.constant 0 : i32
    %dma_start3A_8 = tpu.memref_slice %arg3[%dma_start3A_6, %dma_start3A_7] : memref<1000000x64xf32, #tpu.memory_space<hbm>> -> memref<1000000x64xf32, #tpu.memory_space<hbm>>
    tpu.enqueue_indirect_dma source(%dma_start3A_8 : memref<1000000x64xf32, #tpu.memory_space<hbm>>) target(%arg6 : memref<256x64xf32, #tpu.memory_space<vmem>>) offsets(%dma_start3A_5 : memref<256xi32, #tpu.memory_space<vmem>>) semaphore(%arg11 : memref<!tpu.dma_semaphore, #tpu.memory_space<semaphore_mem>>)
    %dma_start3A_9 = arith.constant 1 : i32
    %dma_start3A_10 = arith.constant 0 : i32
    %dma_start3A_11 = tpu.memref_slice %arg5[%dma_start3A_9, %dma_start3A_10] : memref<25x256xi32, #tpu.memory_space<vmem>> -> memref<1x256xi32, #tpu.memory_space<vmem>>
    %dma_start3A_12 = tpu.memref_squeeze %dma_start3A_11 : memref<1x256xi32, #tpu.memory_space<vmem>> -> memref<256xi32, #tpu.memory_space<vmem>>
    %dma_start3A_13 = arith.constant 0 : i32
    %dma_start3A_14 = arith.constant 0 : i32
    %dma_start3A_15 = tpu.memref_slice %arg3[%dma_start3A_13, %dma_start3A_14] : memref<1000000x64xf32, #tpu.memory_space<hbm>> -> memref<1000000x64xf32, #tpu.memory_space<hbm>>
    tpu.enqueue_indirect_dma source(%dma_start3A_15 : memref<1000000x64xf32, #tpu.memory_space<hbm>>) target(%arg7 : memref<256x64xf32, #tpu.memory_space<vmem>>) offsets(%dma_start3A_12 : memref<256xi32, #tpu.memory_space<vmem>>) semaphore(%arg12 : memref<!tpu.dma_semaphore, #tpu.memory_space<semaphore_mem>>)
    %dma_start3A_16 = arith.constant 2 : i32
    %dma_start3A_17 = arith.constant 0 : i32
    %dma_start3A_18 = tpu.memref_slice %arg5[%dma_start3A_16, %dma_start3A_17] : memref<25x256xi32, #tpu.memory_space<vmem>> -> memref<1x256xi32, #tpu.memory_space<vmem>>
    %dma_start3A_19 = tpu.memref_squeeze %dma_start3A_18 : memref<1x256xi32, #tpu.memory_space<vmem>> -> memref<256xi32, #tpu.memory_space<vmem>>
    %dma_start3A_20 = arith.constant 0 : i32
    %dma_start3A_21 = arith.constant 0 : i32
    %dma_start3A_22 = tpu.memref_slice %arg3[%dma_start3A_20, %dma_start3A_21] : memref<1000000x64xf32, #tpu.memory_space<hbm>> -> memref<1000000x64xf32, #tpu.memory_space<hbm>>
    tpu.enqueue_indirect_dma source(%dma_start3A_22 : memref<1000000x64xf32, #tpu.memory_space<hbm>>) target(%arg8 : memref<256x64xf32, #tpu.memory_space<vmem>>) offsets(%dma_start3A_19 : memref<256xi32, #tpu.memory_space<vmem>>) semaphore(%arg13 : memref<!tpu.dma_semaphore, #tpu.memory_space<semaphore_mem>>)
    %dma_start3A_23 = arith.constant 3 : i32
    %dma_start3A_24 = arith.constant 0 : i32
    %dma_start3A_25 = tpu.memref_slice %arg5[%dma_start3A_23, %dma_start3A_24] : memref<25x256xi32, #tpu.memory_space<vmem>> -> memref<1x256xi32, #tpu.memory_space<vmem>>
    %dma_start3A_26 = tpu.memref_squeeze %dma_start3A_25 : memref<1x256xi32, #tpu.memory_space<vmem>> -> memref<256xi32, #tpu.memory_space<vmem>>
    %dma_start3A_27 = arith.constant 0 : i32
    %dma_start3A_28 = arith.constant 0 : i32
    %dma_start3A_29 = tpu.memref_slice %arg3[%dma_start3A_27, %dma_start3A_28] : memref<1000000x64xf32, #tpu.memory_space<hbm>> -> memref<1000000x64xf32, #tpu.memory_space<hbm>>
    tpu.enqueue_indirect_dma source(%dma_start3A_29 : memref<1000000x64xf32, #tpu.memory_space<hbm>>) target(%arg9 : memref<256x64xf32, #tpu.memory_space<vmem>>) offsets(%dma_start3A_26 : memref<256xi32, #tpu.memory_space<vmem>>) semaphore(%arg14 : memref<!tpu.dma_semaphore, #tpu.memory_space<semaphore_mem>>)
    %scan3A = arith.constant 0 : i32
    %scan3A_30 = arith.constant 5 : i32
    %scan3A_31 = arith.addi %scan3A, %scan3A_30 : i32
    %scan3A_32 = arith.constant 1 : i32
    scf.for %scan3A_83 = %scan3A to %scan3A_31 step %scan3A_32  : i32 {
      %mul3A_84 = arith.constant 5 : i32
      %mul3A_85 = arith.muli %scan3A_83, %mul3A_84 : i32
      %add3A_86 = arith.constant 0 : i32
      %add3A_87 = arith.addi %add3A_86, %mul3A_85 : i32
      %add3A_88 = arith.constant 0 : i32
      %add3A_89 = arith.addi %add3A_87, %add3A_88 : i32
      %add3A_90 = arith.constant 4 : i32
      %add3A_91 = arith.addi %add3A_89, %add3A_90 : i32
      %lt3A = arith.constant 25 : i32
      %lt3A_92 = arith.cmpi slt, %add3A_91, %lt3A : i32
      %convert_element_type3A = arith.extui %lt3A_92 : i1 to i32
      %cond3A = arith.constant 0 : i32
      %cond3A_93 = arith.cmpi ne, %convert_element_type3A, %cond3A : i32
      scf.if %cond3A_93 {
        %ge3A = arith.constant 1 : i32
        %ge3A_205 = arith.cmpi sge, %add3A_89, %ge3A : i32
        %convert_element_type3A_206 = arith.extui %ge3A_205 : i1 to i32
        %cond3A_207 = arith.constant 0 : i32
        %cond3A_208 = arith.cmpi ne, %convert_element_type3A_206, %cond3A_207 : i32
        scf.if %cond3A_208 {
          %sub3A = arith.constant 1 : i32
          %sub3A_215 = arith.subi %add3A_89, %sub3A : i32
          %add3A_216 = arith.addi %mul3A_2, %sub3A_215 : i32
          %dma_wait3A_217 = arith.constant 0 : i32
          %dma_wait3A_218 = arith.constant 0 : i32
          %dma_wait3A_219 = tpu.memref_slice %arg4[%add3A_216, %dma_wait3A_217, %dma_wait3A_218] : memref<800x256x64xf32, #tpu.memory_space<hbm>> -> memref<1x256x64xf32, #tpu.memory_space<hbm>>
          %dma_wait3A_220 = tpu.memref_squeeze %dma_wait3A_219 : memref<1x256x64xf32, #tpu.memory_space<hbm>> -> memref<256x64xf32, #tpu.memory_space<hbm>>
          %dma_wait3A_221 = arith.constant 0 : i32
          %dma_wait3A_222 = arith.constant 0 : i32
          %dma_wait3A_223 = tpu.memref_slice %arg4[%add3A_216, %dma_wait3A_221, %dma_wait3A_222] : memref<800x256x64xf32, #tpu.memory_space<hbm>> -> memref<1x256x64xf32, #tpu.memory_space<hbm>>
          %dma_wait3A_224 = tpu.memref_squeeze %dma_wait3A_223 : memref<1x256x64xf32, #tpu.memory_space<hbm>> -> memref<256x64xf32, #tpu.memory_space<hbm>>
          tpu.wait_dma2 semaphore(%arg20 : memref<!tpu.dma_semaphore, #tpu.memory_space<semaphore_mem>>) src(%arg10 : memref<256x64xf32, #tpu.memory_space<vmem>>) dst(%dma_wait3A_224 : memref<256x64xf32, #tpu.memory_space<hbm>>)
        } else {
        }
        %dma_start3A_209 = arith.constant 0 : i32
        %dma_start3A_210 = tpu.memref_slice %arg5[%add3A_91, %dma_start3A_209] : memref<25x256xi32, #tpu.memory_space<vmem>> -> memref<1x256xi32, #tpu.memory_space<vmem>>
        %dma_start3A_211 = tpu.memref_squeeze %dma_start3A_210 : memref<1x256xi32, #tpu.memory_space<vmem>> -> memref<256xi32, #tpu.memory_space<vmem>>
        %dma_start3A_212 = arith.constant 0 : i32
        %dma_start3A_213 = arith.constant 0 : i32
        %dma_start3A_214 = tpu.memref_slice %arg3[%dma_start3A_212, %dma_start3A_213] : memref<1000000x64xf32, #tpu.memory_space<hbm>> -> memref<1000000x64xf32, #tpu.memory_space<hbm>>
        tpu.enqueue_indirect_dma source(%dma_start3A_214 : memref<1000000x64xf32, #tpu.memory_space<hbm>>) target(%arg10 : memref<256x64xf32, #tpu.memory_space<vmem>>) offsets(%dma_start3A_211 : memref<256xi32, #tpu.memory_space<vmem>>) semaphore(%arg15 : memref<!tpu.dma_semaphore, #tpu.memory_space<semaphore_mem>>)
      } else {
      }
      %dma_wait3A_94 = arith.constant 0 : i32
      %dma_wait3A_95 = tpu.memref_slice %arg5[%add3A_89, %dma_wait3A_94] : memref<25x256xi32, #tpu.memory_space<vmem>> -> memref<1x256xi32, #tpu.memory_space<vmem>>
      %dma_wait3A_96 = tpu.memref_squeeze %dma_wait3A_95 : memref<1x256xi32, #tpu.memory_space<vmem>> -> memref<256xi32, #tpu.memory_space<vmem>>
      %dma_wait3A_97 = arith.constant 0 : i32
      %dma_wait3A_98 = arith.constant 0 : i32
      %dma_wait3A_99 = tpu.memref_slice %arg3[%dma_wait3A_97, %dma_wait3A_98] : memref<1000000x64xf32, #tpu.memory_space<hbm>> -> memref<1000000x64xf32, #tpu.memory_space<hbm>>
      tpu.wait_indirect_dma semaphore(%arg11 : memref<!tpu.dma_semaphore, #tpu.memory_space<semaphore_mem>>) src(%dma_wait3A_99 : memref<1000000x64xf32, #tpu.memory_space<hbm>>) dst(%arg6 : memref<256x64xf32, #tpu.memory_space<vmem>>)
      %add3A_100 = arith.addi %mul3A_2, %add3A_89 : i32
      %dma_start3A_101 = arith.constant 0 : i32
      %dma_start3A_102 = arith.constant 0 : i32
      %dma_start3A_103 = tpu.memref_slice %arg4[%add3A_100, %dma_start3A_101, %dma_start3A_102] : memref<800x256x64xf32, #tpu.memory_space<hbm>> -> memref<1x256x64xf32, #tpu.memory_space<hbm>>
      %dma_start3A_104 = tpu.memref_squeeze %dma_start3A_103 : memref<1x256x64xf32, #tpu.memory_space<hbm>> -> memref<256x64xf32, #tpu.memory_space<hbm>>
      %dma_start3A_105 = arith.constant 0 : i32
      %dma_start3A_106 = arith.constant 0 : i32
      %dma_start3A_107 = tpu.memref_slice %arg4[%add3A_100, %dma_start3A_105, %dma_start3A_106] : memref<800x256x64xf32, #tpu.memory_space<hbm>> -> memref<1x256x64xf32, #tpu.memory_space<hbm>>
      %dma_start3A_108 = tpu.memref_squeeze %dma_start3A_107 : memref<1x256x64xf32, #tpu.memory_space<hbm>> -> memref<256x64xf32, #tpu.memory_space<hbm>>
      tpu.enqueue_dma source(%arg6 : memref<256x64xf32, #tpu.memory_space<vmem>>) target(%dma_start3A_108 : memref<256x64xf32, #tpu.memory_space<hbm>>) target_semaphore(%arg16 : memref<!tpu.dma_semaphore, #tpu.memory_space<semaphore_mem>>)
      %add3A_109 = arith.constant 1 : i32
      %add3A_110 = arith.addi %add3A_87, %add3A_109 : i32
      %add3A_111 = arith.constant 4 : i32
      %add3A_112 = arith.addi %add3A_110, %add3A_111 : i32
      %lt3A_113 = arith.constant 25 : i32
      %lt3A_114 = arith.cmpi slt, %add3A_112, %lt3A_113 : i32
      %convert_element_type3A_115 = arith.extui %lt3A_114 : i1 to i32
      %cond3A_116 = arith.constant 0 : i32
      %cond3A_117 = arith.cmpi ne, %convert_element_type3A_115, %cond3A_116 : i32
      scf.if %cond3A_117 {
        %sub3A = arith.constant 1 : i32
        %sub3A_205 = arith.subi %add3A_110, %sub3A : i32
        %add3A_206 = arith.addi %mul3A_2, %sub3A_205 : i32
        %dma_wait3A_207 = arith.constant 0 : i32
        %dma_wait3A_208 = arith.constant 0 : i32
        %dma_wait3A_209 = tpu.memref_slice %arg4[%add3A_206, %dma_wait3A_207, %dma_wait3A_208] : memref<800x256x64xf32, #tpu.memory_space<hbm>> -> memref<1x256x64xf32, #tpu.memory_space<hbm>>
        %dma_wait3A_210 = tpu.memref_squeeze %dma_wait3A_209 : memref<1x256x64xf32, #tpu.memory_space<hbm>> -> memref<256x64xf32, #tpu.memory_space<hbm>>
        %dma_wait3A_211 = arith.constant 0 : i32
        %dma_wait3A_212 = arith.constant 0 : i32
        %dma_wait3A_213 = tpu.memref_slice %arg4[%add3A_206, %dma_wait3A_211, %dma_wait3A_212] : memref<800x256x64xf32, #tpu.memory_space<hbm>> -> memref<1x256x64xf32, #tpu.memory_space<hbm>>
        %dma_wait3A_214 = tpu.memref_squeeze %dma_wait3A_213 : memref<1x256x64xf32, #tpu.memory_space<hbm>> -> memref<256x64xf32, #tpu.memory_space<hbm>>
        tpu.wait_dma2 semaphore(%arg16 : memref<!tpu.dma_semaphore, #tpu.memory_space<semaphore_mem>>) src(%arg6 : memref<256x64xf32, #tpu.memory_space<vmem>>) dst(%dma_wait3A_214 : memref<256x64xf32, #tpu.memory_space<hbm>>)
        %dma_start3A_215 = arith.constant 0 : i32
        %dma_start3A_216 = tpu.memref_slice %arg5[%add3A_112, %dma_start3A_215] : memref<25x256xi32, #tpu.memory_space<vmem>> -> memref<1x256xi32, #tpu.memory_space<vmem>>
        %dma_start3A_217 = tpu.memref_squeeze %dma_start3A_216 : memref<1x256xi32, #tpu.memory_space<vmem>> -> memref<256xi32, #tpu.memory_space<vmem>>
        %dma_start3A_218 = arith.constant 0 : i32
        %dma_start3A_219 = arith.constant 0 : i32
        %dma_start3A_220 = tpu.memref_slice %arg3[%dma_start3A_218, %dma_start3A_219] : memref<1000000x64xf32, #tpu.memory_space<hbm>> -> memref<1000000x64xf32, #tpu.memory_space<hbm>>
        tpu.enqueue_indirect_dma source(%dma_start3A_220 : memref<1000000x64xf32, #tpu.memory_space<hbm>>) target(%arg6 : memref<256x64xf32, #tpu.memory_space<vmem>>) offsets(%dma_start3A_217 : memref<256xi32, #tpu.memory_space<vmem>>) semaphore(%arg11 : memref<!tpu.dma_semaphore, #tpu.memory_space<semaphore_mem>>)
      } else {
      }
      %dma_wait3A_118 = arith.constant 0 : i32
      %dma_wait3A_119 = tpu.memref_slice %arg5[%add3A_110, %dma_wait3A_118] : memref<25x256xi32, #tpu.memory_space<vmem>> -> memref<1x256xi32, #tpu.memory_space<vmem>>
      %dma_wait3A_120 = tpu.memref_squeeze %dma_wait3A_119 : memref<1x256xi32, #tpu.memory_space<vmem>> -> memref<256xi32, #tpu.memory_space<vmem>>
      %dma_wait3A_121 = arith.constant 0 : i32
      %dma_wait3A_122 = arith.constant 0 : i32
      %dma_wait3A_123 = tpu.memref_slice %arg3[%dma_wait3A_121, %dma_wait3A_122] : memref<1000000x64xf32, #tpu.memory_space<hbm>> -> memref<1000000x64xf32, #tpu.memory_space<hbm>>
      tpu.wait_indirect_dma semaphore(%arg12 : memref<!tpu.dma_semaphore, #tpu.memory_space<semaphore_mem>>) src(%dma_wait3A_123 : memref<1000000x64xf32, #tpu.memory_space<hbm>>) dst(%arg7 : memref<256x64xf32, #tpu.memory_space<vmem>>)
      %add3A_124 = arith.addi %mul3A_2, %add3A_110 : i32
      %dma_start3A_125 = arith.constant 0 : i32
      %dma_start3A_126 = arith.constant 0 : i32
      %dma_start3A_127 = tpu.memref_slice %arg4[%add3A_124, %dma_start3A_125, %dma_start3A_126] : memref<800x256x64xf32, #tpu.memory_space<hbm>> -> memref<1x256x64xf32, #tpu.memory_space<hbm>>
      %dma_start3A_128 = tpu.memref_squeeze %dma_start3A_127 : memref<1x256x64xf32, #tpu.memory_space<hbm>> -> memref<256x64xf32, #tpu.memory_space<hbm>>
      %dma_start3A_129 = arith.constant 0 : i32
      %dma_start3A_130 = arith.constant 0 : i32
      %dma_start3A_131 = tpu.memref_slice %arg4[%add3A_124, %dma_start3A_129, %dma_start3A_130] : memref<800x256x64xf32, #tpu.memory_space<hbm>> -> memref<1x256x64xf32, #tpu.memory_space<hbm>>
      %dma_start3A_132 = tpu.memref_squeeze %dma_start3A_131 : memref<1x256x64xf32, #tpu.memory_space<hbm>> -> memref<256x64xf32, #tpu.memory_space<hbm>>
      tpu.enqueue_dma source(%arg7 : memref<256x64xf32, #tpu.memory_space<vmem>>) target(%dma_start3A_132 : memref<256x64xf32, #tpu.memory_space<hbm>>) target_semaphore(%arg17 : memref<!tpu.dma_semaphore, #tpu.memory_space<semaphore_mem>>)
      %add3A_133 = arith.constant 2 : i32
      %add3A_134 = arith.addi %add3A_87, %add3A_133 : i32
      %add3A_135 = arith.constant 4 : i32
      %add3A_136 = arith.addi %add3A_134, %add3A_135 : i32
      %lt3A_137 = arith.constant 25 : i32
      %lt3A_138 = arith.cmpi slt, %add3A_136, %lt3A_137 : i32
      %convert_element_type3A_139 = arith.extui %lt3A_138 : i1 to i32
      %cond3A_140 = arith.constant 0 : i32
      %cond3A_141 = arith.cmpi ne, %convert_element_type3A_139, %cond3A_140 : i32
      scf.if %cond3A_141 {
        %sub3A = arith.constant 1 : i32
        %sub3A_205 = arith.subi %add3A_134, %sub3A : i32
        %add3A_206 = arith.addi %mul3A_2, %sub3A_205 : i32
        %dma_wait3A_207 = arith.constant 0 : i32
        %dma_wait3A_208 = arith.constant 0 : i32
        %dma_wait3A_209 = tpu.memref_slice %arg4[%add3A_206, %dma_wait3A_207, %dma_wait3A_208] : memref<800x256x64xf32, #tpu.memory_space<hbm>> -> memref<1x256x64xf32, #tpu.memory_space<hbm>>
        %dma_wait3A_210 = tpu.memref_squeeze %dma_wait3A_209 : memref<1x256x64xf32, #tpu.memory_space<hbm>> -> memref<256x64xf32, #tpu.memory_space<hbm>>
        %dma_wait3A_211 = arith.constant 0 : i32
        %dma_wait3A_212 = arith.constant 0 : i32
        %dma_wait3A_213 = tpu.memref_slice %arg4[%add3A_206, %dma_wait3A_211, %dma_wait3A_212] : memref<800x256x64xf32, #tpu.memory_space<hbm>> -> memref<1x256x64xf32, #tpu.memory_space<hbm>>
        %dma_wait3A_214 = tpu.memref_squeeze %dma_wait3A_213 : memref<1x256x64xf32, #tpu.memory_space<hbm>> -> memref<256x64xf32, #tpu.memory_space<hbm>>
        tpu.wait_dma2 semaphore(%arg17 : memref<!tpu.dma_semaphore, #tpu.memory_space<semaphore_mem>>) src(%arg7 : memref<256x64xf32, #tpu.memory_space<vmem>>) dst(%dma_wait3A_214 : memref<256x64xf32, #tpu.memory_space<hbm>>)
        %dma_start3A_215 = arith.constant 0 : i32
        %dma_start3A_216 = tpu.memref_slice %arg5[%add3A_136, %dma_start3A_215] : memref<25x256xi32, #tpu.memory_space<vmem>> -> memref<1x256xi32, #tpu.memory_space<vmem>>
        %dma_start3A_217 = tpu.memref_squeeze %dma_start3A_216 : memref<1x256xi32, #tpu.memory_space<vmem>> -> memref<256xi32, #tpu.memory_space<vmem>>
        %dma_start3A_218 = arith.constant 0 : i32
        %dma_start3A_219 = arith.constant 0 : i32
        %dma_start3A_220 = tpu.memref_slice %arg3[%dma_start3A_218, %dma_start3A_219] : memref<1000000x64xf32, #tpu.memory_space<hbm>> -> memref<1000000x64xf32, #tpu.memory_space<hbm>>
        tpu.enqueue_indirect_dma source(%dma_start3A_220 : memref<1000000x64xf32, #tpu.memory_space<hbm>>) target(%arg7 : memref<256x64xf32, #tpu.memory_space<vmem>>) offsets(%dma_start3A_217 : memref<256xi32, #tpu.memory_space<vmem>>) semaphore(%arg12 : memref<!tpu.dma_semaphore, #tpu.memory_space<semaphore_mem>>)
      } else {
      }
      %dma_wait3A_142 = arith.constant 0 : i32
      %dma_wait3A_143 = tpu.memref_slice %arg5[%add3A_134, %dma_wait3A_142] : memref<25x256xi32, #tpu.memory_space<vmem>> -> memref<1x256xi32, #tpu.memory_space<vmem>>
      %dma_wait3A_144 = tpu.memref_squeeze %dma_wait3A_143 : memref<1x256xi32, #tpu.memory_space<vmem>> -> memref<256xi32, #tpu.memory_space<vmem>>
      %dma_wait3A_145 = arith.constant 0 : i32
      %dma_wait3A_146 = arith.constant 0 : i32
      %dma_wait3A_147 = tpu.memref_slice %arg3[%dma_wait3A_145, %dma_wait3A_146] : memref<1000000x64xf32, #tpu.memory_space<hbm>> -> memref<1000000x64xf32, #tpu.memory_space<hbm>>
      tpu.wait_indirect_dma semaphore(%arg13 : memref<!tpu.dma_semaphore, #tpu.memory_space<semaphore_mem>>) src(%dma_wait3A_147 : memref<1000000x64xf32, #tpu.memory_space<hbm>>) dst(%arg8 : memref<256x64xf32, #tpu.memory_space<vmem>>)
      %add3A_148 = arith.addi %mul3A_2, %add3A_134 : i32
      %dma_start3A_149 = arith.constant 0 : i32
      %dma_start3A_150 = arith.constant 0 : i32
      %dma_start3A_151 = tpu.memref_slice %arg4[%add3A_148, %dma_start3A_149, %dma_start3A_150] : memref<800x256x64xf32, #tpu.memory_space<hbm>> -> memref<1x256x64xf32, #tpu.memory_space<hbm>>
      %dma_start3A_152 = tpu.memref_squeeze %dma_start3A_151 : memref<1x256x64xf32, #tpu.memory_space<hbm>> -> memref<256x64xf32, #tpu.memory_space<hbm>>
      %dma_start3A_153 = arith.constant 0 : i32
      %dma_start3A_154 = arith.constant 0 : i32
      %dma_start3A_155 = tpu.memref_slice %arg4[%add3A_148, %dma_start3A_153, %dma_start3A_154] : memref<800x256x64xf32, #tpu.memory_space<hbm>> -> memref<1x256x64xf32, #tpu.memory_space<hbm>>
      %dma_start3A_156 = tpu.memref_squeeze %dma_start3A_155 : memref<1x256x64xf32, #tpu.memory_space<hbm>> -> memref<256x64xf32, #tpu.memory_space<hbm>>
      tpu.enqueue_dma source(%arg8 : memref<256x64xf32, #tpu.memory_space<vmem>>) target(%dma_start3A_156 : memref<256x64xf32, #tpu.memory_space<hbm>>) target_semaphore(%arg18 : memref<!tpu.dma_semaphore, #tpu.memory_space<semaphore_mem>>)
      %add3A_157 = arith.constant 3 : i32
      %add3A_158 = arith.addi %add3A_87, %add3A_157 : i32
      %add3A_159 = arith.constant 4 : i32
      %add3A_160 = arith.addi %add3A_158, %add3A_159 : i32
      %lt3A_161 = arith.constant 25 : i32
      %lt3A_162 = arith.cmpi slt, %add3A_160, %lt3A_161 : i32
      %convert_element_type3A_163 = arith.extui %lt3A_162 : i1 to i32
      %cond3A_164 = arith.constant 0 : i32
      %cond3A_165 = arith.cmpi ne, %convert_element_type3A_163, %cond3A_164 : i32
      scf.if %cond3A_165 {
        %sub3A = arith.constant 1 : i32
        %sub3A_205 = arith.subi %add3A_158, %sub3A : i32
        %add3A_206 = arith.addi %mul3A_2, %sub3A_205 : i32
        %dma_wait3A_207 = arith.constant 0 : i32
        %dma_wait3A_208 = arith.constant 0 : i32
        %dma_wait3A_209 = tpu.memref_slice %arg4[%add3A_206, %dma_wait3A_207, %dma_wait3A_208] : memref<800x256x64xf32, #tpu.memory_space<hbm>> -> memref<1x256x64xf32, #tpu.memory_space<hbm>>
        %dma_wait3A_210 = tpu.memref_squeeze %dma_wait3A_209 : memref<1x256x64xf32, #tpu.memory_space<hbm>> -> memref<256x64xf32, #tpu.memory_space<hbm>>
        %dma_wait3A_211 = arith.constant 0 : i32
        %dma_wait3A_212 = arith.constant 0 : i32
        %dma_wait3A_213 = tpu.memref_slice %arg4[%add3A_206, %dma_wait3A_211, %dma_wait3A_212] : memref<800x256x64xf32, #tpu.memory_space<hbm>> -> memref<1x256x64xf32, #tpu.memory_space<hbm>>
        %dma_wait3A_214 = tpu.memref_squeeze %dma_wait3A_213 : memref<1x256x64xf32, #tpu.memory_space<hbm>> -> memref<256x64xf32, #tpu.memory_space<hbm>>
        tpu.wait_dma2 semaphore(%arg18 : memref<!tpu.dma_semaphore, #tpu.memory_space<semaphore_mem>>) src(%arg8 : memref<256x64xf32, #tpu.memory_space<vmem>>) dst(%dma_wait3A_214 : memref<256x64xf32, #tpu.memory_space<hbm>>)
        %dma_start3A_215 = arith.constant 0 : i32
        %dma_start3A_216 = tpu.memref_slice %arg5[%add3A_160, %dma_start3A_215] : memref<25x256xi32, #tpu.memory_space<vmem>> -> memref<1x256xi32, #tpu.memory_space<vmem>>
        %dma_start3A_217 = tpu.memref_squeeze %dma_start3A_216 : memref<1x256xi32, #tpu.memory_space<vmem>> -> memref<256xi32, #tpu.memory_space<vmem>>
        %dma_start3A_218 = arith.constant 0 : i32
        %dma_start3A_219 = arith.constant 0 : i32
        %dma_start3A_220 = tpu.memref_slice %arg3[%dma_start3A_218, %dma_start3A_219] : memref<1000000x64xf32, #tpu.memory_space<hbm>> -> memref<1000000x64xf32, #tpu.memory_space<hbm>>
        tpu.enqueue_indirect_dma source(%dma_start3A_220 : memref<1000000x64xf32, #tpu.memory_space<hbm>>) target(%arg8 : memref<256x64xf32, #tpu.memory_space<vmem>>) offsets(%dma_start3A_217 : memref<256xi32, #tpu.memory_space<vmem>>) semaphore(%arg13 : memref<!tpu.dma_semaphore, #tpu.memory_space<semaphore_mem>>)
      } else {
      }
      %dma_wait3A_166 = arith.constant 0 : i32
      %dma_wait3A_167 = tpu.memref_slice %arg5[%add3A_158, %dma_wait3A_166] : memref<25x256xi32, #tpu.memory_space<vmem>> -> memref<1x256xi32, #tpu.memory_space<vmem>>
      %dma_wait3A_168 = tpu.memref_squeeze %dma_wait3A_167 : memref<1x256xi32, #tpu.memory_space<vmem>> -> memref<256xi32, #tpu.memory_space<vmem>>
      %dma_wait3A_169 = arith.constant 0 : i32
      %dma_wait3A_170 = arith.constant 0 : i32
      %dma_wait3A_171 = tpu.memref_slice %arg3[%dma_wait3A_169, %dma_wait3A_170] : memref<1000000x64xf32, #tpu.memory_space<hbm>> -> memref<1000000x64xf32, #tpu.memory_space<hbm>>
      tpu.wait_indirect_dma semaphore(%arg14 : memref<!tpu.dma_semaphore, #tpu.memory_space<semaphore_mem>>) src(%dma_wait3A_171 : memref<1000000x64xf32, #tpu.memory_space<hbm>>) dst(%arg9 : memref<256x64xf32, #tpu.memory_space<vmem>>)
      %add3A_172 = arith.addi %mul3A_2, %add3A_158 : i32
      %dma_start3A_173 = arith.constant 0 : i32
      %dma_start3A_174 = arith.constant 0 : i32
      %dma_start3A_175 = tpu.memref_slice %arg4[%add3A_172, %dma_start3A_173, %dma_start3A_174] : memref<800x256x64xf32, #tpu.memory_space<hbm>> -> memref<1x256x64xf32, #tpu.memory_space<hbm>>
      %dma_start3A_176 = tpu.memref_squeeze %dma_start3A_175 : memref<1x256x64xf32, #tpu.memory_space<hbm>> -> memref<256x64xf32, #tpu.memory_space<hbm>>
      %dma_start3A_177 = arith.constant 0 : i32
      %dma_start3A_178 = arith.constant 0 : i32
      %dma_start3A_179 = tpu.memref_slice %arg4[%add3A_172, %dma_start3A_177, %dma_start3A_178] : memref<800x256x64xf32, #tpu.memory_space<hbm>> -> memref<1x256x64xf32, #tpu.memory_space<hbm>>
      %dma_start3A_180 = tpu.memref_squeeze %dma_start3A_179 : memref<1x256x64xf32, #tpu.memory_space<hbm>> -> memref<256x64xf32, #tpu.memory_space<hbm>>
      tpu.enqueue_dma source(%arg9 : memref<256x64xf32, #tpu.memory_space<vmem>>) target(%dma_start3A_180 : memref<256x64xf32, #tpu.memory_space<hbm>>) target_semaphore(%arg19 : memref<!tpu.dma_semaphore, #tpu.memory_space<semaphore_mem>>)
      %add3A_181 = arith.constant 4 : i32
      %add3A_182 = arith.addi %add3A_87, %add3A_181 : i32
      %add3A_183 = arith.constant 4 : i32
      %add3A_184 = arith.addi %add3A_182, %add3A_183 : i32
      %lt3A_185 = arith.constant 25 : i32
      %lt3A_186 = arith.cmpi slt, %add3A_184, %lt3A_185 : i32
      %convert_element_type3A_187 = arith.extui %lt3A_186 : i1 to i32
      %cond3A_188 = arith.constant 0 : i32
      %cond3A_189 = arith.cmpi ne, %convert_element_type3A_187, %cond3A_188 : i32
      scf.if %cond3A_189 {
        %sub3A = arith.constant 1 : i32
        %sub3A_205 = arith.subi %add3A_182, %sub3A : i32
        %add3A_206 = arith.addi %mul3A_2, %sub3A_205 : i32
        %dma_wait3A_207 = arith.constant 0 : i32
        %dma_wait3A_208 = arith.constant 0 : i32
        %dma_wait3A_209 = tpu.memref_slice %arg4[%add3A_206, %dma_wait3A_207, %dma_wait3A_208] : memref<800x256x64xf32, #tpu.memory_space<hbm>> -> memref<1x256x64xf32, #tpu.memory_space<hbm>>
        %dma_wait3A_210 = tpu.memref_squeeze %dma_wait3A_209 : memref<1x256x64xf32, #tpu.memory_space<hbm>> -> memref<256x64xf32, #tpu.memory_space<hbm>>
        %dma_wait3A_211 = arith.constant 0 : i32
        %dma_wait3A_212 = arith.constant 0 : i32
        %dma_wait3A_213 = tpu.memref_slice %arg4[%add3A_206, %dma_wait3A_211, %dma_wait3A_212] : memref<800x256x64xf32, #tpu.memory_space<hbm>> -> memref<1x256x64xf32, #tpu.memory_space<hbm>>
        %dma_wait3A_214 = tpu.memref_squeeze %dma_wait3A_213 : memref<1x256x64xf32, #tpu.memory_space<hbm>> -> memref<256x64xf32, #tpu.memory_space<hbm>>
        tpu.wait_dma2 semaphore(%arg19 : memref<!tpu.dma_semaphore, #tpu.memory_space<semaphore_mem>>) src(%arg9 : memref<256x64xf32, #tpu.memory_space<vmem>>) dst(%dma_wait3A_214 : memref<256x64xf32, #tpu.memory_space<hbm>>)
        %dma_start3A_215 = arith.constant 0 : i32
        %dma_start3A_216 = tpu.memref_slice %arg5[%add3A_184, %dma_start3A_215] : memref<25x256xi32, #tpu.memory_space<vmem>> -> memref<1x256xi32, #tpu.memory_space<vmem>>
        %dma_start3A_217 = tpu.memref_squeeze %dma_start3A_216 : memref<1x256xi32, #tpu.memory_space<vmem>> -> memref<256xi32, #tpu.memory_space<vmem>>
        %dma_start3A_218 = arith.constant 0 : i32
        %dma_start3A_219 = arith.constant 0 : i32
        %dma_start3A_220 = tpu.memref_slice %arg3[%dma_start3A_218, %dma_start3A_219] : memref<1000000x64xf32, #tpu.memory_space<hbm>> -> memref<1000000x64xf32, #tpu.memory_space<hbm>>
        tpu.enqueue_indirect_dma source(%dma_start3A_220 : memref<1000000x64xf32, #tpu.memory_space<hbm>>) target(%arg9 : memref<256x64xf32, #tpu.memory_space<vmem>>) offsets(%dma_start3A_217 : memref<256xi32, #tpu.memory_space<vmem>>) semaphore(%arg14 : memref<!tpu.dma_semaphore, #tpu.memory_space<semaphore_mem>>)
      } else {
      }
      %dma_wait3A_190 = arith.constant 0 : i32
      %dma_wait3A_191 = tpu.memref_slice %arg5[%add3A_182, %dma_wait3A_190] : memref<25x256xi32, #tpu.memory_space<vmem>> -> memref<1x256xi32, #tpu.memory_space<vmem>>
      %dma_wait3A_192 = tpu.memref_squeeze %dma_wait3A_191 : memref<1x256xi32, #tpu.memory_space<vmem>> -> memref<256xi32, #tpu.memory_space<vmem>>
      %dma_wait3A_193 = arith.constant 0 : i32
      %dma_wait3A_194 = arith.constant 0 : i32
      %dma_wait3A_195 = tpu.memref_slice %arg3[%dma_wait3A_193, %dma_wait3A_194] : memref<1000000x64xf32, #tpu.memory_space<hbm>> -> memref<1000000x64xf32, #tpu.memory_space<hbm>>
      tpu.wait_indirect_dma semaphore(%arg15 : memref<!tpu.dma_semaphore, #tpu.memory_space<semaphore_mem>>) src(%dma_wait3A_195 : memref<1000000x64xf32, #tpu.memory_space<hbm>>) dst(%arg10 : memref<256x64xf32, #tpu.memory_space<vmem>>)
      %add3A_196 = arith.addi %mul3A_2, %add3A_182 : i32
      %dma_start3A_197 = arith.constant 0 : i32
      %dma_start3A_198 = arith.constant 0 : i32
      %dma_start3A_199 = tpu.memref_slice %arg4[%add3A_196, %dma_start3A_197, %dma_start3A_198] : memref<800x256x64xf32, #tpu.memory_space<hbm>> -> memref<1x256x64xf32, #tpu.memory_space<hbm>>
      %dma_start3A_200 = tpu.memref_squeeze %dma_start3A_199 : memref<1x256x64xf32, #tpu.memory_space<hbm>> -> memref<256x64xf32, #tpu.memory_space<hbm>>
      %dma_start3A_201 = arith.constant 0 : i32
      %dma_start3A_202 = arith.constant 0 : i32
      %dma_start3A_203 = tpu.memref_slice %arg4[%add3A_196, %dma_start3A_201, %dma_start3A_202] : memref<800x256x64xf32, #tpu.memory_space<hbm>> -> memref<1x256x64xf32, #tpu.memory_space<hbm>>
      %dma_start3A_204 = tpu.memref_squeeze %dma_start3A_203 : memref<1x256x64xf32, #tpu.memory_space<hbm>> -> memref<256x64xf32, #tpu.memory_space<hbm>>
      tpu.enqueue_dma source(%arg10 : memref<256x64xf32, #tpu.memory_space<vmem>>) target(%dma_start3A_204 : memref<256x64xf32, #tpu.memory_space<hbm>>) target_semaphore(%arg20 : memref<!tpu.dma_semaphore, #tpu.memory_space<semaphore_mem>>)
    }
    %scan3A_33 = arith.constant 5 : i32
    %add3A_34 = arith.constant 20 : i32
    %add3A_35 = arith.addi %mul3A_2, %add3A_34 : i32
    %dma_wait3A = arith.constant 0 : i32
    %dma_wait3A_36 = arith.constant 0 : i32
    %dma_wait3A_37 = tpu.memref_slice %arg4[%add3A_35, %dma_wait3A, %dma_wait3A_36] : memref<800x256x64xf32, #tpu.memory_space<hbm>> -> memref<1x256x64xf32, #tpu.memory_space<hbm>>
    %dma_wait3A_38 = tpu.memref_squeeze %dma_wait3A_37 : memref<1x256x64xf32, #tpu.memory_space<hbm>> -> memref<256x64xf32, #tpu.memory_space<hbm>>
    %dma_wait3A_39 = arith.constant 0 : i32
    %dma_wait3A_40 = arith.constant 0 : i32
    %dma_wait3A_41 = tpu.memref_slice %arg4[%add3A_35, %dma_wait3A_39, %dma_wait3A_40] : memref<800x256x64xf32, #tpu.memory_space<hbm>> -> memref<1x256x64xf32, #tpu.memory_space<hbm>>
    %dma_wait3A_42 = tpu.memref_squeeze %dma_wait3A_41 : memref<1x256x64xf32, #tpu.memory_space<hbm>> -> memref<256x64xf32, #tpu.memory_space<hbm>>
    tpu.wait_dma2 semaphore(%arg16 : memref<!tpu.dma_semaphore, #tpu.memory_space<semaphore_mem>>) src(%arg6 : memref<256x64xf32, #tpu.memory_space<vmem>>) dst(%dma_wait3A_42 : memref<256x64xf32, #tpu.memory_space<hbm>>)
    %add3A_43 = arith.constant 21 : i32
    %add3A_44 = arith.addi %mul3A_2, %add3A_43 : i32
    %dma_wait3A_45 = arith.constant 0 : i32
    %dma_wait3A_46 = arith.constant 0 : i32
    %dma_wait3A_47 = tpu.memref_slice %arg4[%add3A_44, %dma_wait3A_45, %dma_wait3A_46] : memref<800x256x64xf32, #tpu.memory_space<hbm>> -> memref<1x256x64xf32, #tpu.memory_space<hbm>>
    %dma_wait3A_48 = tpu.memref_squeeze %dma_wait3A_47 : memref<1x256x64xf32, #tpu.memory_space<hbm>> -> memref<256x64xf32, #tpu.memory_space<hbm>>
    %dma_wait3A_49 = arith.constant 0 : i32
    %dma_wait3A_50 = arith.constant 0 : i32
    %dma_wait3A_51 = tpu.memref_slice %arg4[%add3A_44, %dma_wait3A_49, %dma_wait3A_50] : memref<800x256x64xf32, #tpu.memory_space<hbm>> -> memref<1x256x64xf32, #tpu.memory_space<hbm>>
    %dma_wait3A_52 = tpu.memref_squeeze %dma_wait3A_51 : memref<1x256x64xf32, #tpu.memory_space<hbm>> -> memref<256x64xf32, #tpu.memory_space<hbm>>
    tpu.wait_dma2 semaphore(%arg17 : memref<!tpu.dma_semaphore, #tpu.memory_space<semaphore_mem>>) src(%arg7 : memref<256x64xf32, #tpu.memory_space<vmem>>) dst(%dma_wait3A_52 : memref<256x64xf32, #tpu.memory_space<hbm>>)
    %add3A_53 = arith.constant 22 : i32
    %add3A_54 = arith.addi %mul3A_2, %add3A_53 : i32
    %dma_wait3A_55 = arith.constant 0 : i32
    %dma_wait3A_56 = arith.constant 0 : i32
    %dma_wait3A_57 = tpu.memref_slice %arg4[%add3A_54, %dma_wait3A_55, %dma_wait3A_56] : memref<800x256x64xf32, #tpu.memory_space<hbm>> -> memref<1x256x64xf32, #tpu.memory_space<hbm>>
    %dma_wait3A_58 = tpu.memref_squeeze %dma_wait3A_57 : memref<1x256x64xf32, #tpu.memory_space<hbm>> -> memref<256x64xf32, #tpu.memory_space<hbm>>
    %dma_wait3A_59 = arith.constant 0 : i32
    %dma_wait3A_60 = arith.constant 0 : i32
    %dma_wait3A_61 = tpu.memref_slice %arg4[%add3A_54, %dma_wait3A_59, %dma_wait3A_60] : memref<800x256x64xf32, #tpu.memory_space<hbm>> -> memref<1x256x64xf32, #tpu.memory_space<hbm>>
    %dma_wait3A_62 = tpu.memref_squeeze %dma_wait3A_61 : memref<1x256x64xf32, #tpu.memory_space<hbm>> -> memref<256x64xf32, #tpu.memory_space<hbm>>
    tpu.wait_dma2 semaphore(%arg18 : memref<!tpu.dma_semaphore, #tpu.memory_space<semaphore_mem>>) src(%arg8 : memref<256x64xf32, #tpu.memory_space<vmem>>) dst(%dma_wait3A_62 : memref<256x64xf32, #tpu.memory_space<hbm>>)
    %add3A_63 = arith.constant 23 : i32
    %add3A_64 = arith.addi %mul3A_2, %add3A_63 : i32
    %dma_wait3A_65 = arith.constant 0 : i32
    %dma_wait3A_66 = arith.constant 0 : i32
    %dma_wait3A_67 = tpu.memref_slice %arg4[%add3A_64, %dma_wait3A_65, %dma_wait3A_66] : memref<800x256x64xf32, #tpu.memory_space<hbm>> -> memref<1x256x64xf32, #tpu.memory_space<hbm>>
    %dma_wait3A_68 = tpu.memref_squeeze %dma_wait3A_67 : memref<1x256x64xf32, #tpu.memory_space<hbm>> -> memref<256x64xf32, #tpu.memory_space<hbm>>
    %dma_wait3A_69 = arith.constant 0 : i32
    %dma_wait3A_70 = arith.constant 0 : i32
    %dma_wait3A_71 = tpu.memref_slice %arg4[%add3A_64, %dma_wait3A_69, %dma_wait3A_70] : memref<800x256x64xf32, #tpu.memory_space<hbm>> -> memref<1x256x64xf32, #tpu.memory_space<hbm>>
    %dma_wait3A_72 = tpu.memref_squeeze %dma_wait3A_71 : memref<1x256x64xf32, #tpu.memory_space<hbm>> -> memref<256x64xf32, #tpu.memory_space<hbm>>
    tpu.wait_dma2 semaphore(%arg19 : memref<!tpu.dma_semaphore, #tpu.memory_space<semaphore_mem>>) src(%arg9 : memref<256x64xf32, #tpu.memory_space<vmem>>) dst(%dma_wait3A_72 : memref<256x64xf32, #tpu.memory_space<hbm>>)
    %add3A_73 = arith.constant 24 : i32
    %add3A_74 = arith.addi %mul3A_2, %add3A_73 : i32
    %dma_wait3A_75 = arith.constant 0 : i32
    %dma_wait3A_76 = arith.constant 0 : i32
    %dma_wait3A_77 = tpu.memref_slice %arg4[%add3A_74, %dma_wait3A_75, %dma_wait3A_76] : memref<800x256x64xf32, #tpu.memory_space<hbm>> -> memref<1x256x64xf32, #tpu.memory_space<hbm>>
    %dma_wait3A_78 = tpu.memref_squeeze %dma_wait3A_77 : memref<1x256x64xf32, #tpu.memory_space<hbm>> -> memref<256x64xf32, #tpu.memory_space<hbm>>
    %dma_wait3A_79 = arith.constant 0 : i32
    %dma_wait3A_80 = arith.constant 0 : i32
    %dma_wait3A_81 = tpu.memref_slice %arg4[%add3A_74, %dma_wait3A_79, %dma_wait3A_80] : memref<800x256x64xf32, #tpu.memory_space<hbm>> -> memref<1x256x64xf32, #tpu.memory_space<hbm>>
    %dma_wait3A_82 = tpu.memref_squeeze %dma_wait3A_81 : memref<1x256x64xf32, #tpu.memory_space<hbm>> -> memref<256x64xf32, #tpu.memory_space<hbm>>
    tpu.wait_dma2 semaphore(%arg20 : memref<!tpu.dma_semaphore, #tpu.memory_space<semaphore_mem>>) src(%arg10 : memref<256x64xf32, #tpu.memory_space<vmem>>) dst(%dma_wait3A_82 : memref<256x64xf32, #tpu.memory_space<hbm>>)
    return
  }
}

</mosaic_0001>

<sc_bundles>
// kernel: kernel.3.cloned.1.call-start
scs
__scs_entry_jumppad:
0x0: {  	(pc) =	sbr.rel $0x88, $3  }
0x1: {  	(tag) =	ssettag $0x0;
	lr =	simm.s32 $0x1  }
0x2: {  	[smem:$0x3F9F] =	sst lr;
	_ =	strace $0xD0000000  }
0x3: {  	_ = 	snop  }
0x4: {  	_ = 	snop  }
0x5: {  	_ = 	snop  }
0x6: {  	_ = 	snop  }
0x7: {  	_ = 	snop  }
__scs_overlays_trampoline_lowered:
0x8: {  	[smem:$0x3FAE] =	sst s0  }
0x9: {  	[smem:$0x3FAF] =	sst s1  }
0xa: {  	[smem:$0x3FB0] =	sst s2  }
0xb: {  	[smem:$0x3FB1] =	sst s3  }
0xc: {  	[smem:$0x3FB2] =	sst s4  }
0xd: {  	[smem:$0x3FB3] =	sst s5  }
0xe: {  	[smem:$0x3FB4] =	sst s6  }
0xf: {  	[smem:$0x3FB5] =	sst s7  }
0x10: {  	[smem:$0x3FB6] =	sst s8  }
0x11: {  	[smem:$0x3FB7] =	sst s9;
	s0 =	simm.s32 @!p0 $0x0  }
0x12: {  	s1 =	sld [smem:$0x3F9D];
	s0 =	simm.s32 @p0 $0x1  }
0x13: {  	[smem:$0x3FB8] =	sst s0;
	s0 =	simm.s32 @!p1 $0x0  }
0x14: {  	s2 =	sld [smem:$0x3F9C];
	s0 =	simm.s32 @p1 $0x1  }
0x15: {  	[smem:$0x3FB9] =	sst s0;
	s0 =	simm.s32 @!p2 $0x0  }
0x16: {  	s3 =	sld [smem:$0x3FDB];
	s0 =	simm.s32 @p2 $0x1  }
0x17: {  	s4 =	simm.s32 $0x1BF5;
	[smem:$0x3FBB] =	sst s0  }
0x18: {  	s0 =	sld [smem:$0x3F9E];
	_ =	swait.ge [sflag:s4], $0x0  }
0x19: {  	s7 =	sld [smem:$0x3F9F]  }
0x1a: {  	s8 =	sadd.s32 $0xFFFFE003, lr  }
0x1b: {  	s9 =	sadd.s32 $0xFFFFFEF7, lr;
	s5 =	simm.s32 $0xFFFFFFFF;
	p2 =	slt.u32 s8, $0xFFFFF086  }
0x1c: {  	p1 =	slt.u32 s9, $0xF7A;
	s5 =	simm.s32 @!p2 $0x0  }
0x1d: {  	s5 =	simm.s32 @p1 $0x1;
	p0 =	seq.s32 s7, s2  }
0x1e: {  	s7 =	smul.u32 @!p0 $0xF7A, s2;
	p2 =	seq.s32 @!p0 s5, $0x0  }
0x1f: {  	s9 =	smul.u32 $0xF7A, s1;
	s8 =	simm.s32 @!p0 $0x1BF5;
	p2 =	por !p2, p0  }
0x20: {  	[sflag:s8] =	ssyncset.s32 @!p0 $0xFFFFF086;
	s6 =	sadd.s32 @!p0 s3, s7;
	s7 =	simm.s32 @!p0 $0x108  }
0x21: {  	s3 =	sadd.s32 s3, s9;
	s6 =	sadd.s32 @!p0 $0x88, s6;
	s7 =	simm.s32 @p2 $0x1082  }
0x22: {  	[simem:s7], [sflag:s8] =	dma.local @!p0 [hbm:s6], $0xF7A  }
0x23: {  	s9 =	sor.u32 $0xD0000000, s2;
	s6 =	simm.s32 $0x108;
	_ =	swait.ge @!p0 [sflag:s8], $0x0  }
0x24: {  	s3 =	sadd.s32 $0x88, s3;
	s6 =	simm.s32 @!p1 $0x1082;
	[sflag:s4] =	ssyncset.s32 $0xFFFFF086  }
0x25: {  	[simem:s6], [sflag:s4] =	dma.local [hbm:s3], $0xF7A  }
0x26: {  	[smem:$0x3F9F] =	sst s1;
	(tag) =	ssettag s2;
	_ =	strace s9  }
0x27: {  	s1 =	sld [smem:$0x3FAF]  }
0x28: {  	s2 =	sld [smem:$0x3FB0]  }
0x29: {  	s4 =	sld [smem:$0x3FB2]  }
0x2a: {  	p0 =	seq.s32 s5, $0x0;
	s5 =	sld [smem:$0x3FB3]  }
0x2b: {  	s6 =	sld [smem:$0x3FB4]  }
0x2c: {  	s7 =	sld [smem:$0x3FB5]  }
0x2d: {  	s3 =	simm.s32 $0x108;
	s8 =	sld [smem:$0x3FB6]  }
0x2e: {  	s3 =	simm.s32 @!p0 $0x1082;
	s9 =	sld [smem:$0x3FB7]  }
0x2f: {  	lr =	sadd.s32 s0, s3;
	s0 =	sld [smem:$0x3FAE]  }
0x30: {  	s3 =	sld [smem:$0x3FB1]  }
0x31: {  	[smem:$0x3FBA] =	sst s10  }
0x32: {  	s10 =	sld [smem:$0x3FB8];
	_ =	sdelay $0x3  }
0x33: {  	p0 =	seq.s32 s10, $0x1;
	s10 =	sld [smem:$0x3FBA];
	_ =	sdelay $0x3  }
0x34: {  	[smem:$0x3FBA] =	sst s10  }
0x35: {  	s10 =	sld [smem:$0x3FB9];
	_ =	sdelay $0x3  }
0x36: {  	p1 =	seq.s32 s10, $0x1;
	s10 =	sld [smem:$0x3FBA];
	_ =	sdelay $0x3  }
0x37: {  	[smem:$0x3FBA] =	sst s10  }
0x38: {  	s10 =	sld [smem:$0x3FBB]  }
0x39: {  	_ = 	snop;
	(pc) =	sbr.ind lr, $3  }
0x3a: {  	_ = 	snop  }
0x3b: {  	_ = 	snop  }
0x3c: {  	p2 =	seq.s32 s10, $0x1;
	s10 =	sld [smem:$0x3FBA]  }
0x3d: {  	_ =	shalt  }
0x3e: {  	_ =	shalt  }
0x3f: {  	_ =	shalt  }
0x40: {  	_ =	shalt  }
0x41: {  	_ =	shalt  }
0x42: {  	_ =	shalt  }
0x43: {  	_ =	shalt  }
0x44: {  	_ =	shalt  }
0x45: {  	_ =	shalt  }
0x46: {  	_ =	shalt  }
0x47: {  	_ =	shalt  }
0x48: {  	_ =	shalt  }
0x49: {  	_ =	shalt  }
0x4a: {  	_ =	shalt  }
0x4b: {  	_ =	shalt  }
0x4c: {  	_ =	shalt  }
0x4d: {  	_ =	shalt  }
0x4e: {  	_ =	shalt  }
0x4f: {  	_ =	shalt  }
0x50: {  	_ =	shalt  }
0x51: {  	_ =	shalt  }
0x52: {  	_ =	shalt  }
0x53: {  	_ =	shalt  }
0x54: {  	_ =	shalt  }
0x55: {  	_ =	shalt  }
0x56: {  	_ =	shalt  }
0x57: {  	_ =	shalt  }
0x58: {  	_ =	shalt  }
0x59: {  	_ =	shalt  }
0x5a: {  	_ =	shalt  }
0x5b: {  	_ =	shalt  }
0x5c: {  	_ =	shalt  }
0x5d: {  	_ =	shalt  }
0x5e: {  	_ =	shalt  }
0x5f: {  	_ =	shalt  }
0x60: {  	_ =	shalt  }
0x61: {  	_ =	shalt  }
0x62: {  	_ =	shalt  }
0x63: {  	_ =	shalt  }
0x64: {  	_ =	shalt  }
0x65: {  	_ =	shalt  }
0x66: {  	_ =	shalt  }
0x67: {  	_ =	shalt  }
0x68: {  	_ =	shalt  }
0x69: {  	_ =	shalt  }
0x6a: {  	_ =	shalt  }
0x6b: {  	_ =	shalt  }
0x6c: {  	_ =	shalt  }
0x6d: {  	_ =	shalt  }
0x6e: {  	_ =	shalt  }
0x6f: {  	_ =	shalt  }
0x70: {  	_ =	shalt  }
0x71: {  	_ =	shalt  }
0x72: {  	_ =	shalt  }
0x73: {  	_ =	shalt  }
0x74: {  	_ =	shalt  }
0x75: {  	_ =	shalt  }
0x76: {  	_ =	shalt  }
0x77: {  	_ =	shalt  }
0x78: {  	_ =	shalt  }
0x79: {  	_ =	shalt  }
0x7a: {  	_ =	shalt  }
0x7b: {  	_ =	shalt  }
0x7c: {  	_ =	shalt  }
0x7d: {  	_ =	shalt  }
0x7e: {  	_ =	shalt  }
0x7f: {  	_ =	shalt  }
0x80: {  	_ =	shalt  }
0x81: {  	_ =	shalt  }
0x82: {  	_ =	shalt  }
0x83: {  	_ =	shalt  }
0x84: {  	_ =	shalt  }
0x85: {  	_ =	shalt  }
0x86: {  	_ =	shalt  }
0x87: {  	_ =	shalt  }
.Lfunc_end0:
.L_simem_size_0:
called_computation.1_lowered:
.L_overlay_start_0:
0x88: {  	s2 =	sld [smem:$0x3FD9]  }
0x89: {  	s3 =	sld [smem:$0x3FFE];
	_ =	sdelay $0x1  }
0x8a: {  	s1 =	srdreg.scid  }
0x8b: {  	s0 =	sand.u32 $0x1, s1  }
0x8c: {  	s17 =	sshll.u32 s0, $0xA;
	s2 =	sadd.s32 s3, s2  }
0x8d: {  	s2 =	sadd.s32 s2, s17  }
0x8e: {  	[smem:$0x3FC6] =	sst s2  }
0x8f: {  	_ = 	snop  }
0x90: {  	s2 =	sld [smem:$0x3FD0];
	(tm) =	ssettm $0x1  }
0x91: {  	s18 =	sld [smem:$0x3FFB];
	_ =	sdelay $0x3  }
0x92: {  	_ =	strace s18  }
0x93: {  	s3 =	sld [smem:$0x3FFC];
	_ =	sdelay $0x3  }
0x94: {  	_ =	strace s3  }
0x95: {  	s3 =	sld [smem:$0x3FFD];
	_ =	sdelay $0x3  }
0x96: {  	_ =	strace s3  }
0x97: {  	_ =	strace $0x8FFFFFFF  }
0x98: {  	s19 =	sld [smem:$0x3FDB];
	_ =	sdelay $0x1  }
0x99: {  	s4 =	simm.s32 $_scs_section_size  }
0x9a: {  	s5 =	simm.s32 $_size__tile_overlayer_lowered;
	s6 =	simm.s32 $_tile_overlayer_lowered  }
0x9b: {  	s22 =	simm.s32 $0x1BFF;
	s21 =	sshll.u32 s6, $0x1;
	s3 =	sadd.s32 s4, s19  }
0x9c: {  	s7 =	simm.s32 $0x0;
	s20 =	sshll.u32 s5, $0x1;
	s5 =	sadd.s32 s21, s3  }
0x9d: {  	[timem:s7], [sflag:s22] =	dma.local [hbm:s5], s20  }
0x9e: {  	_ =	swait.ge [sflag:s22], s20  }
0x9f: {  	s4 =	ssub.s32 $0x0, s20;
	[sflag:s22] =	ssyncset.done $0x0  }
0xa0: {  	[sflag:s22] =	ssyncadd.s32 s4;
	_ =	sdelay $0x1  }
0xa1: {  	s23 =	simm.s32 $0x1B8B  }
0xa2: {  	_ =	swait.ge [sflag:s23], $0x1  }
0xa3: {  	[sflag:s23] =	ssyncset.done $0x0  }
0xa4: {  	s25 =	simm.s32 $0x1B8E;
	s24 =	sld [smem:$0x3FFE];
	[sflag:s23] =	ssyncadd.s32 $0xFFFFFFFF  }
0xa5: {  	s26 =	simm.s32 $execute0_lowered;
	[smem:$0x3FD2] =	sst s25  }
0xa6: {  	s5 =	sshll.u32 s26, $0x1;
	_ =	strace $0x80000046;
	[dreg:$0x1] =	wrdreg $0xFFFFFFFF  }
0xa7: {  	s28 =	simm.s32 $_size_execute0_lowered;
	s3 =	sadd.s32 s3, s5;
	[dreg:$0x0] =	wrdreg $0x0  }
0xa8: {  	s5 =	sshll.u32 s28, $0x1;
	[dreg:$0x2] =	wrdreg s3  }
0xa9: {  	[dreg:$0x3] =	wrdreg s5  }
0xaa: {  	[dreg:$0x4] =	wrdreg $0xC0  }
0xab: {  	_ =	task [dreg:s7], $0x5FFFF  }
0xac: {  	[dreg:$0x1] =	wrdreg $0xFFFFFFFF  }
0xad: {  	[dreg:$0x0] =	wrdreg $0x60  }
0xae: {  	[dreg:$0x2] =	wrdreg s24  }
0xaf: {  	[dreg:$0x3] =	wrdreg s2  }
0xb0: {  	[dreg:$0x4] =	wrdreg $0x9  }
0xb1: {  	_ =	task.clear_ibuf [dreg:s7], $0x5FFFF;
	_ =	strace $0x90000046  }
0xb2: {  	s29 =	simm.s32 $0x9;
	_ =	strace $0x80000048  }
0xb3: {  	_ =	swait.ge [sflag:s29], $0x1  }
0xb4: {  	[sflag:s29] =	ssyncadd.s32 $0xFFFFFFFF  }
0xb5: {  	_ =	strace $0x90000048  }
0xb6: {  	_ =	sfence  }
0xb7: {  	s30 =	sld [smem:$0x0];
	_ =	sdelay $0x2  }
0xb8: {  	s31 =	sshll.u32 s1, $0xD;
	s1 =	sshrl.u32 s1, $0x2  }
0xb9: {  	s3 =	sand.u32 $0x4000, s31;
	s1 =	sadd.s32 s1, s30  }
0xba: {  	s0 =	sor.u32 s3, s0;
	s1 =	sshll.u32 s1, $0x11  }
0xbb: {  	s0 =	sor.u32 s1, s0  }
0xbc: {  	s0 =	sadd.s32 $0x8F2B, s0  }
0xbd: {  	[sflag:s0] =	ssyncadd.remote.s32 $0x1  }
0xbe: {  	_ =	sfence.sel $0xFFFF  }
0xbf: {  	[dreg:$0x0] =	wrdreg $0xFFFFFFFF;
	(pc) =	sbr.abs _section_cstart, $3  }
0xc0: {  	[dreg:$0x1] =	wrdreg $0xFFFFFFFF  }
0xc1: {  	_ =	task.clear_ibuf [dreg:s7], $0x2FFFF;
	_ =	strace $0x9FFFFFFF  }
0xc2: {  	(tm) =	ssettm $0x7FFFFFFF  }
0xc3: {  	_ =	shalt  }
tec
execute0_lowered:
.L_overlay_start_1:
0x0: {  	(tag) =	ssettag $0x1  }
0x1: {  	s0 =	srdreg.scid  }
0x2: {  	s9 =	stileid.u32;
	s3 =	rddreg [dreg:$0x0]  }
0x3: {  	s4 =	rddreg [dreg:$0x1];
	s2 =	simm.s32 $0x0;
	s12 =	simm.s32 $0x100  }
0x4: {  	s13 =	simm.s32 $0x1900;
	s14 =	simm.s32 $0x5900;
	s16 =	simm.s32 $0x9900  }
0x5: {  	s18 =	simm.s32 $0xD900;
	s19 =	simm.s32 $0x11900;
	s20 =	simm.s32 $0x1  }
0x6: {  	s21 =	simm.s32 $0x2;
	s22 =	simm.s32 $0x3;
	s5 =	smul.u32 $0x32, s9  }
0x7: {  	s0 =	sand.u32 $0x1, s0;
	s1 =	sshll.u32 s9, $0x1;
	s24 =	smul.u32 $0x19000, s9  }
0x8: {  	s31 =	simm.s32 $0x0;
	s1 =	sor.u32 s0, s1;
	s6 =	smul.u32 $0x19, s0  }
0x9: {  	[smem:$0x7FF] =	sst s2;
	s7 =	ssub.s32 $0x2, s0;
	s1 =	smul.u32 $0x320, s1  }
0xa: {  	_ =	strace $0x80000047;
	s0 =	smul.u32 $0xC800, s0;
	s8 =	sshrl.u32 s7, $0x1  }
0xb: {  	s5 =	sadd.s32 s6, s5;
	s23 =	ssub.s32 s7, s8;
	s1 =	sadd.s32 s1, s3  }
0xc: {  	s3 =	sadd.s32 $0xF42E00, s3;
	s5 =	sshll.u32 s5, $0xB;
	s26 =	smax.u32 s23, $0x1  }
0xd: {  	s1 =	sadd.s32 $0xA00, s1;
	s25 =	sadd.s32 s4, s5;
	[dreg:$0x4] =	wrdreg s26  }
0xe: {  	s23 =	simm.s32 $0x4;
	[dreg:$0x3] =	wrdreg s1;
	s28 =	sadd.s32 $0x1800, s25  }
0xf: {  	s4 =	sadd.s32 s24, s4;
	s29 =	sadd.s32 $0x1000, s25;
	[dreg:$0x5] =	wrdreg s28  }
0x10: {  	s24 =	simm.s32 $0x5;
	s30 =	sadd.s32 $0x800, s25;
	[dreg:$0x6] =	wrdreg s29  }
0x11: {  	s9 =	sadd.s32 s0, s4;
	s25 =	sadd.s32 $0x2000, s25;
	[dreg:$0x7] =	wrdreg s30  }
.LBB2_1:
0x12: {  	s0 =	rddreg [dreg:$0x3];
	s28 =	simm.s32 $0xB  }
0x13: {  	[tilespmem:s2], [sflag:$0xB] =	stream.linear.gather [hbm4b:s0+s2], $0x1900, $0x38;
	[tilespmem:$0x15900] =	vst v63  }
0x14: {  	_ =	swait.ge [sflag:s28], $0x1900  }
0x15: {  	[sflag:s28] =	ssyncset.done $0x0  }
0x16: {  	[sflag:s28] =	ssyncadd.s32 $0xFFFFE700  }
0x17: {  	[tilespmem:s13], [sflag:$0x1] =	stream.indirect.gather [hbm4b:s3+s12], $0x40, s2, s12, $0xb8;
	[tilespmem:$0x15900] =	vst v63  }
0x18: {  	_ = 	snop  }
0x19: {  	[tilespmem:s14], [sflag:$0x2] =	stream.indirect.gather [hbm4b:s3+s12], $0x40, s12, s12, $0xb8;
	[tilespmem:$0x15900] =	vst v63  }
0x1a: {  	s29 =	simm.s32 $0x200;
	p0 =	por $0x1, $0x1  }
0x1b: {  	[tilespmem:s16], [sflag:$0x3] =	stream.indirect.gather [hbm4b:s3+s12], $0x40, s29, s12, $0xb8;
	[tilespmem:$0x15900] =	vst v63  }
0x1c: {  	s30 =	simm.s32 $0x300;
	s0 =	simm.s32 @!p0 $0xA  }
0x1d: {  	[tilespmem:s18], [sflag:$0x4] =	stream.indirect.gather [hbm4b:s3+s12], $0x40, s30, s12, $0xb8;
	[tilespmem:$0x15900] =	vst v63  }
0x1e: {  	_ =	swait.ge @!p0 [sflag:s0], $0x4000  }
0x1f: {  	[sflag:s0] =	ssyncset.done @!p0 $0x0  }
0x20: {  	s1 =	simm.s32 $0x400;
	[sflag:s0] =	ssyncadd.s32 @!p0 $0xFFFFC000  }
0x21: {  	[tilespmem:s19], [sflag:$0x5] =	stream.indirect.gather [hbm4b:s3+s12], $0x40, s1, s12, $0xb8;
	[tilespmem:$0x15900] =	vst v63  }
0x22: {  	_ =	swait.ge [sflag:s20], $0x4000  }
0x23: {  	p0 =	por $0x0, $0x0;
	[sflag:s20] =	ssyncset.done $0x0  }
0x24: {  	s0 =	simm.s32 @!p0 $0x6;
	[sflag:s20] =	ssyncadd.s32 $0xFFFFC000  }
0x25: {  	[hbm4b:s9+s2] =	stream.linear.scatter [tilespmem:s13], [sflag:$0x6], $0x4000, $0x38;
	[tilespmem:$0x15900] =	vst v63  }
0x26: {  	_ =	swait.ge @!p0 [sflag:s0], $0x4000  }
0x27: {  	s1 =	simm.s32 @!p0 $0x500;
	[sflag:s0] =	ssyncset.done @!p0 $0x0  }
0x28: {  	s4 =	simm.s32 @!p0 $0x100;
	s5 =	simm.s32 @!p0 $0x1900;
	[sflag:s0] =	ssyncadd.s32 @!p0 $0xFFFFC000  }
0x29: {  	[tilespmem:s5], [sflag:$0x1] =	stream.indirect.gather @!p0 [hbm4b:s3+s4], $0x40, s1, s4, $0xb8;
	[tilespmem:$0x15900] =	vst v63  }
0x2a: {  	_ =	swait.ge [sflag:s21], $0x4000  }
0x2b: {  	[sflag:s21] =	ssyncset.done $0x0  }
0x2c: {  	s0 =	simm.s32 @!p0 $0x7;
	s8 =	rddreg [dreg:$0x7];
	[sflag:s21] =	ssyncadd.s32 $0xFFFFC000  }
0x2d: {  	[hbm4b:s8+s2] =	stream.linear.scatter [tilespmem:s14], [sflag:$0x7], $0x4000, $0x38;
	[tilespmem:$0x15900] =	vst v63  }
0x2e: {  	_ =	swait.ge @!p0 [sflag:s0], $0x4000  }
0x2f: {  	[sflag:s0] =	ssyncset.done @!p0 $0x0  }
0x30: {  	s1 =	simm.s32 @!p0 $0x600;
	s5 =	simm.s32 @!p0 $0x5900;
	[sflag:s0] =	ssyncadd.s32 @!p0 $0xFFFFC000  }
0x31: {  	[tilespmem:s5], [sflag:$0x2] =	stream.indirect.gather @!p0 [hbm4b:s3+s4], $0x40, s1, s4, $0xb8;
	[tilespmem:$0x15900] =	vst v63  }
0x32: {  	_ =	swait.ge [sflag:s22], $0x4000  }
0x33: {  	[sflag:s22] =	ssyncset.done $0x0  }
0x34: {  	s0 =	simm.s32 @!p0 $0x8;
	s7 =	rddreg [dreg:$0x6];
	[sflag:s22] =	ssyncadd.s32 $0xFFFFC000  }
0x35: {  	[hbm4b:s7+s2] =	stream.linear.scatter [tilespmem:s16], [sflag:$0x8], $0x4000, $0x38;
	[tilespmem:$0x15900] =	vst v63  }
0x36: {  	_ =	swait.ge @!p0 [sflag:s0], $0x4000  }
0x37: {  	[sflag:s0] =	ssyncset.done @!p0 $0x0  }
0x38: {  	s1 =	simm.s32 @!p0 $0x700;
	s5 =	simm.s32 @!p0 $0x9900;
	[sflag:s0] =	ssyncadd.s32 @!p0 $0xFFFFC000  }
0x39: {  	[tilespmem:s5], [sflag:$0x3] =	stream.indirect.gather @!p0 [hbm4b:s3+s4], $0x40, s1, s4, $0xb8;
	[tilespmem:$0x15900] =	vst v63  }
0x3a: {  	_ =	swait.ge [sflag:s23], $0x4000  }
0x3b: {  	[sflag:s23] =	ssyncset.done $0x0  }
0x3c: {  	s0 =	simm.s32 @!p0 $0x9;
	s6 =	rddreg [dreg:$0x5];
	[sflag:s23] =	ssyncadd.s32 $0xFFFFC000  }
0x3d: {  	[hbm4b:s6+s2] =	stream.linear.scatter [tilespmem:s18], [sflag:$0x9], $0x4000, $0x38;
	[tilespmem:$0x15900] =	vst v63  }
0x3e: {  	s11 =	simm.s32 $0x2800;
	p1 =	por $0x0, $0x0;
	_ =	swait.ge @!p0 [sflag:s0], $0x4000  }
0x3f: {  	s10 =	simm.s32 @!p0 $0x800;
	s15 =	simm.s32 @!p0 $0xD900;
	[sflag:s0] =	ssyncset.done @!p0 $0x0  }
0x40: {  	s17 =	sadd.s32 $0x2800, s8;
	s5 =	simm.s32 $0x1400;
	[sflag:s0] =	ssyncadd.s32 @!p0 $0xFFFFC000  }
0x41: {  	[tilespmem:s15], [sflag:$0x4] =	stream.indirect.gather @!p0 [hbm4b:s3+s4], $0x40, s10, s4, $0xb8;
	[tilespmem:$0x15900] =	vst v63  }
0x42: {  	s1 =	sadd.s32 $0x2800, s25;
	s0 =	sadd.s32 $0x2800, s6;
	s4 =	sadd.s32 $0x2800, s9  }
0x43: {  	s15 =	sadd.s32 $0x2800, s7;
	s10 =	smov.u32 s25;
	_ =	swait.ge [sflag:s24], $0x4000  }
.LBB2_2:
0x44: {  	s26 =	simm.s32 @!p1 $0xA  }
0x45: {  	[sflag:s24] =	ssyncset.done $0x0;
	s28 =	smov.u32 s11;
	s11 =	sadd.s32 $0x1400, s11  }
0x46: {  	p0 =	sne.s32 s11, $0x6400;
	[sflag:s24] =	ssyncadd.s32 $0xFFFFC000  }
0x47: {  	[hbm4b:s10+s2] =	stream.linear.scatter [tilespmem:s19], [sflag:$0xA], $0x4000, $0x38;
	[tilespmem:$0x15900] =	vst v63  }
0x48: {  	s29 =	sshra.s32 s5, $0x2;
	s10 =	smov.u32 s1;
	_ =	swait.ge @!p1 [sflag:s26], $0x4000  }
0x49: {  	s29 =	sadd.s32 $0x400, s29;
	[sflag:s26] =	ssyncset.done @!p1 $0x0  }
0x4a: {  	[sflag:s26] =	ssyncadd.s32 @!p1 $0xFFFFC000  }
0x4b: {  	[tilespmem:s19], [sflag:$0x5] =	stream.indirect.gather [hbm4b:s3+s12], $0x40, s29, s12, $0xb8;
	[tilespmem:$0x15900] =	vst v63  }
0x4c: {  	_ =	swait.ge [sflag:s20], $0x4000  }
0x4d: {  	p1 =	seq.s32 s5, $0x5000;
	[sflag:s20] =	ssyncset.done $0x0  }
0x4e: {  	s29 =	simm.s32 @!p1 $0x6;
	s5 =	sshra.s32 @!p1 s5, $0x2;
	[sflag:s20] =	ssyncadd.s32 $0xFFFFC000  }
0x4f: {  	[hbm4b:s4+s2] =	stream.linear.scatter [tilespmem:s13], [sflag:$0x6], $0x4000, $0x38;
	[tilespmem:$0x15900] =	vst v63  }
0x50: {  	s30 =	sadd.s32 @!p1 $0x500, s5;
	s6 =	sadd.s32 @!p1 $0x600, s5;
	_ =	swait.ge @!p1 [sflag:s29], $0x4000  }
0x51: {  	s26 =	simm.s32 @!p1 $0x100;
	s7 =	simm.s32 @!p1 $0x1900;
	[sflag:s29] =	ssyncset.done @!p1 $0x0  }
0x52: {  	s8 =	sadd.s32 @!p1 $0x800, s5;
	[sflag:s29] =	ssyncadd.s32 @!p1 $0xFFFFC000;
	s29 =	sadd.s32 @!p1 $0x700, s5  }
0x53: {  	[tilespmem:s7], [sflag:$0x1] =	stream.indirect.gather @!p1 [hbm4b:s3+s26], $0x40, s30, s26, $0xb8;
	[tilespmem:$0x15900] =	vst v63  }
0x54: {  	s5 =	smov.u32 s28;
	_ =	swait.ge [sflag:s21], $0x4000  }
0x55: {  	[sflag:s21] =	ssyncset.done $0x0  }
0x56: {  	s7 =	simm.s32 @!p1 $0x7;
	[sflag:s21] =	ssyncadd.s32 $0xFFFFC000  }
0x57: {  	[hbm4b:s17+s2] =	stream.linear.scatter [tilespmem:s14], [sflag:$0x7], $0x4000, $0x38;
	[tilespmem:$0x15900] =	vst v63  }
0x58: {  	_ =	swait.ge @!p1 [sflag:s7], $0x4000  }
0x59: {  	s28 =	simm.s32 @!p1 $0x5900;
	[sflag:s7] =	ssyncset.done @!p1 $0x0  }
0x5a: {  	[sflag:s7] =	ssyncadd.s32 @!p1 $0xFFFFC000  }
0x5b: {  	[tilespmem:s28], [sflag:$0x2] =	stream.indirect.gather @!p1 [hbm4b:s3+s26], $0x40, s6, s26, $0xb8;
	[tilespmem:$0x15900] =	vst v63  }
0x5c: {  	_ =	swait.ge [sflag:s22], $0x4000  }
0x5d: {  	[sflag:s22] =	ssyncset.done $0x0  }
0x5e: {  	s6 =	simm.s32 @!p1 $0x8;
	[sflag:s22] =	ssyncadd.s32 $0xFFFFC000  }
0x5f: {  	[hbm4b:s15+s2] =	stream.linear.scatter [tilespmem:s16], [sflag:$0x8], $0x4000, $0x38;
	[tilespmem:$0x15900] =	vst v63  }
0x60: {  	_ =	swait.ge @!p1 [sflag:s6], $0x4000  }
0x61: {  	s7 =	simm.s32 @!p1 $0x9900;
	[sflag:s6] =	ssyncset.done @!p1 $0x0  }
0x62: {  	[sflag:s6] =	ssyncadd.s32 @!p1 $0xFFFFC000  }
0x63: {  	[tilespmem:s7], [sflag:$0x3] =	stream.indirect.gather @!p1 [hbm4b:s3+s26], $0x40, s29, s26, $0xb8;
	[tilespmem:$0x15900] =	vst v63  }
0x64: {  	_ =	swait.ge [sflag:s23], $0x4000  }
0x65: {  	[sflag:s23] =	ssyncset.done $0x0  }
0x66: {  	s6 =	simm.s32 @!p1 $0x9;
	[sflag:s23] =	ssyncadd.s32 $0xFFFFC000  }
0x67: {  	[hbm4b:s0+s2] =	stream.linear.scatter [tilespmem:s18], [sflag:$0x9], $0x4000, $0x38;
	[tilespmem:$0x15900] =	vst v63  }
.Ltmp0:
0x68: {  	s1 =	sadd.s32 $0x2800, s1;
	_ =	swait.ge @!p1 [sflag:s6], $0x4000;
	(pc) =	sbr.rel @p0 .LBB2_2-.Ltmp0, $4  }
0x69: {  	s4 =	sadd.s32 $0x2800, s4;
	s7 =	simm.s32 @!p1 $0xD900;
	[sflag:s6] =	ssyncset.done @!p1 $0x0  }
0x6a: {  	s17 =	sadd.s32 $0x2800, s17;
	s15 =	sadd.s32 $0x2800, s15;
	[sflag:s6] =	ssyncadd.s32 @!p1 $0xFFFFC000  }
0x6b: {  	[tilespmem:s7], [sflag:$0x4] =	stream.indirect.gather @!p1 [hbm4b:s3+s26], $0x40, s8, s26, $0xb8;
	[tilespmem:$0x15900] =	vst v63  }
0x6c: {  	s0 =	sadd.s32 $0x2800, s0;
	p1 =	seq.s32 s5, $0x0;
	_ =	swait.ge [sflag:s24], $0x4000  }
0x6d: {  	[sflag:s24] =	ssyncset.done $0x0  }
0x6e: {  	s6 =	simm.s32 @!p1 $0xA;
	[sflag:s24] =	ssyncadd.s32 $0xFFFFC000  }
0x6f: {  	[hbm4b:s10+s2] =	stream.linear.scatter [tilespmem:s19], [sflag:$0xA], $0x4000, $0x38;
	[tilespmem:$0x15900] =	vst v63  }
0x70: {  	_ =	swait.ge @!p1 [sflag:s6], $0x4000  }
0x71: {  	s7 =	sshra.s32 s5, $0x2;
	[sflag:s6] =	ssyncset.done @!p1 $0x0  }
0x72: {  	s7 =	sadd.s32 $0x400, s7;
	[sflag:s6] =	ssyncadd.s32 @!p1 $0xFFFFC000  }
0x73: {  	[tilespmem:s19], [sflag:$0x5] =	stream.indirect.gather [hbm4b:s3+s12], $0x40, s7, s12, $0xb8;
	[tilespmem:$0x15900] =	vst v63  }
0x74: {  	_ =	swait.ge [sflag:s20], $0x4000  }
0x75: {  	p0 =	seq.s32 s5, $0x5000;
	[sflag:s20] =	ssyncset.done $0x0  }
0x76: {  	s6 =	simm.s32 @!p0 $0x6;
	[sflag:s20] =	ssyncadd.s32 $0xFFFFC000  }
0x77: {  	[hbm4b:s4+s2] =	stream.linear.scatter [tilespmem:s13], [sflag:$0x6], $0x4000, $0x38;
	[tilespmem:$0x15900] =	vst v63  }
0x78: {  	_ =	swait.ge @!p0 [sflag:s6], $0x4000  }
0x79: {  	s7 =	simm.s32 @!p0 $0x100;
	s4 =	sshra.s32 @!p0 s5, $0x2;
	[sflag:s6] =	ssyncset.done @!p0 $0x0  }
0x7a: {  	s5 =	sadd.s32 @!p0 $0x500, s4;
	[sflag:s6] =	ssyncadd.s32 @!p0 $0xFFFFC000;
	s6 =	simm.s32 @!p0 $0x1900  }
0x7b: {  	[tilespmem:s6], [sflag:$0x1] =	stream.indirect.gather @!p0 [hbm4b:s3+s7], $0x40, s5, s7, $0xb8;
	[tilespmem:$0x15900] =	vst v63  }
0x7c: {  	_ =	swait.ge [sflag:s21], $0x4000  }
0x7d: {  	[sflag:s21] =	ssyncset.done $0x0  }
0x7e: {  	s5 =	simm.s32 @!p0 $0x7;
	[sflag:s21] =	ssyncadd.s32 $0xFFFFC000  }
0x7f: {  	[hbm4b:s17+s2] =	stream.linear.scatter [tilespmem:s14], [sflag:$0x7], $0x4000, $0x38;
	[tilespmem:$0x15900] =	vst v63  }
0x80: {  	_ =	swait.ge @!p0 [sflag:s5], $0x4000  }
0x81: {  	[sflag:s5] =	ssyncset.done @!p0 $0x0  }
0x82: {  	s6 =	sadd.s32 @!p0 $0x600, s4;
	[sflag:s5] =	ssyncadd.s32 @!p0 $0xFFFFC000;
	s5 =	simm.s32 @!p0 $0x5900  }
0x83: {  	[tilespmem:s5], [sflag:$0x2] =	stream.indirect.gather @!p0 [hbm4b:s3+s7], $0x40, s6, s7, $0xb8;
	[tilespmem:$0x15900] =	vst v63  }
0x84: {  	_ =	swait.ge [sflag:s22], $0x4000  }
0x85: {  	[sflag:s22] =	ssyncset.done $0x0  }
0x86: {  	s5 =	simm.s32 @!p0 $0x8;
	[sflag:s22] =	ssyncadd.s32 $0xFFFFC000  }
0x87: {  	[hbm4b:s15+s2] =	stream.linear.scatter [tilespmem:s16], [sflag:$0x8], $0x4000, $0x38;
	[tilespmem:$0x15900] =	vst v63  }
0x88: {  	_ =	swait.ge @!p0 [sflag:s5], $0x4000  }
0x89: {  	[sflag:s5] =	ssyncset.done @!p0 $0x0  }
0x8a: {  	s6 =	sadd.s32 @!p0 $0x700, s4;
	[sflag:s5] =	ssyncadd.s32 @!p0 $0xFFFFC000;
	s5 =	simm.s32 @!p0 $0x9900  }
0x8b: {  	[tilespmem:s5], [sflag:$0x3] =	stream.indirect.gather @!p0 [hbm4b:s3+s7], $0x40, s6, s7, $0xb8;
	[tilespmem:$0x15900] =	vst v63  }
0x8c: {  	_ =	swait.ge [sflag:s23], $0x4000  }
0x8d: {  	[sflag:s23] =	ssyncset.done $0x0  }
0x8e: {  	[sflag:s23] =	ssyncadd.s32 $0xFFFFC000  }
0x8f: {  	[hbm4b:s0+s2] =	stream.linear.scatter [tilespmem:s18], [sflag:$0x9], $0x4000, $0x38;
	[tilespmem:$0x15900] =	vst v63  }
0x90: {  	s0 =	simm.s32 @!p0 $0x9  }
0x91: {  	_ =	swait.ge @!p0 [sflag:s0], $0x4000  }
0x92: {  	[sflag:s0] =	ssyncset.done @!p0 $0x0  }
0x93: {  	s4 =	sadd.s32 @!p0 $0x800, s4;
	[sflag:s0] =	ssyncadd.s32 @!p0 $0xFFFFC000;
	s0 =	simm.s32 @!p0 $0xD900  }
0x94: {  	[tilespmem:s0], [sflag:$0x4] =	stream.indirect.gather @!p0 [hbm4b:s3+s7], $0x40, s4, s7, $0xb8;
	[tilespmem:$0x15900] =	vst v63  }
0x95: {  	_ =	swait.ge [sflag:s24], $0x4000  }
0x96: {  	[sflag:s24] =	ssyncset.done $0x0  }
0x97: {  	s15 =	simm.s32 $0x6;
	[sflag:s24] =	ssyncadd.s32 $0xFFFFC000  }
0x98: {  	[hbm4b:s1+s2] =	stream.linear.scatter [tilespmem:s19], [sflag:$0xA], $0x4000, $0x38;
	[tilespmem:$0x15900] =	vst v63  }
0x99: {  	_ =	swait.ge [sflag:s15], $0x4000  }
0x9a: {  	[sflag:s15] =	ssyncset.done $0x0  }
0x9b: {  	s17 =	simm.s32 $0x7;
	[sflag:s15] =	ssyncadd.s32 $0xFFFFC000  }
0x9c: {  	_ =	swait.ge [sflag:s17], $0x4000  }
0x9d: {  	[sflag:s17] =	ssyncset.done $0x0  }
0x9e: {  	s26 =	simm.s32 $0x8;
	[sflag:s17] =	ssyncadd.s32 $0xFFFFC000  }
0x9f: {  	_ =	swait.ge [sflag:s26], $0x4000  }
0xa0: {  	[sflag:s26] =	ssyncset.done $0x0  }
0xa1: {  	s28 =	simm.s32 $0x9;
	[sflag:s26] =	ssyncadd.s32 $0xFFFFC000  }
0xa2: {  	_ =	swait.ge [sflag:s28], $0x4000  }
0xa3: {  	[sflag:s28] =	ssyncset.done $0x0  }
0xa4: {  	s29 =	simm.s32 $0xA;
	[sflag:s28] =	ssyncadd.s32 $0xFFFFC000  }
0xa5: {  	_ =	swait.ge [sflag:s29], $0x4000  }
0xa6: {  	s31 =	sadd.s32 $0x1, s31;
	s30 =	rddreg [dreg:$0x4]  }
0xa7: {  	p0 =	sne.s32 s31, s30  }
.Ltmp1:
0xa8: {  	_ = 	snop;
	(pc) =	sbr.rel @p0 .LBB2_1-.Ltmp1, $3  }
0xa9: {  	_ =	sdelay $0x1  }
0xaa: {  	[sflag:s29] =	ssyncset.done $0x0  }
0xab: {  	[sflag:s29] =	ssyncadd.s32 $0xFFFFC000  }
0xac: {  	_ =	sfence.sel $0x180000  }
0xad: {  	[bflag:$0x0] =	sbarrier.arrive $0xFFFF  }
0xae: {  	_ =	strace $0x90000047  }
0xaf: {  	s0 =	stileid.u32;
	[bflag:$0x2] =	sbarrier.arrive $0xFFFF  }
0xb0: {  	p0 =	sne.s32 s0, $0x0;
	s0 =	rddreg [dreg:$0x2]  }
0xb1: {  	s0 =	sadd.s32 @!p0 $0x100000, s0  }
0xb2: {  	[sflag:s0] =	ssyncadd.tile.s32 @!p0 $0x1;
	_ =	shalt  }
.Lfunc_end2:
_tile_overlayer_lowered:
.L_overlay_start_2:
0xb3: {  	(tag) =	ssettag $0x2  }
0xb4: {  	s0 =	rddreg [dreg:$0x0];
	s2 =	stileid.u32  }
0xb5: {  	s1 =	rddreg [dreg:$0x1];
	p0 =	sne.s32 s2, $0x0  }
0xb6: {  	s3 =	rddreg [dreg:$0x2];
	[bflag:$0x3] =	sbarrier.arrive $0xFFFF;
	s2 =	simm.s32 @!p0 $0x1C0B  }
0xb7: {  	[timem:s3], [sflag:s2] =	dma.local @!p0 [hbm:s0], s1  }
0xb8: {  	s0 =	simm.s32 @!p0 $0xB  }
0xb9: {  	_ =	swait.ge @!p0 [sflag:s0], s1  }
0xba: {  	s1 =	ssub.s32 @!p0 $0x0, s1;
	[sflag:s0] =	ssyncset.done @!p0 $0x0  }
0xbb: {  	[sflag:s0] =	ssyncadd.s32 @!p0 s1  }
0xbc: {  	[bflag:$0x3] =	sbarrier.arrive $0xFFFF  }
0xbd: {  	_ =	shalt  }

// kernel: sparse-core-data-format-call.cloned.1.call-start
scs
called_computation_lowered:
.L_overlay_start_0:
0x0: {  	s2 =	sld [smem:$0x3FD9]  }
0x1: {  	s3 =	sld [smem:$0x3FFE];
	_ =	sdelay $0x1  }
0x2: {  	s1 =	srdreg.scid  }
0x3: {  	s0 =	sand.u32 $0x1, s1  }
0x4: {  	s18 =	sshll.u32 s0, $0xA;
	s2 =	sadd.s32 s3, s2  }
0x5: {  	s2 =	sadd.s32 s2, s18  }
0x6: {  	[smem:$0x3FC6] =	sst s2  }
0x7: {  	_ = 	snop  }
0x8: {  	s2 =	sld [smem:$0x3FD0];
	(tm) =	ssettm $0x1  }
0x9: {  	s19 =	sld [smem:$0x3FFB];
	_ =	sdelay $0x3  }
0xa: {  	_ =	strace s19  }
0xb: {  	s3 =	sld [smem:$0x3FFC];
	_ =	sdelay $0x3  }
0xc: {  	_ =	strace s3  }
0xd: {  	s3 =	sld [smem:$0x3FFD];
	_ =	sdelay $0x3  }
0xe: {  	_ =	strace s3  }
0xf: {  	_ =	strace $0x8FFFFFFF  }
0x10: {  	s20 =	sld [smem:$0x3FDB];
	_ =	sdelay $0x1  }
0x11: {  	s4 =	simm.s32 $_scs_section_size  }
0x12: {  	s5 =	simm.s32 $_size__tile_overlayer_lowered;
	s6 =	simm.s32 $_tile_overlayer_lowered  }
0x13: {  	s23 =	simm.s32 $0x1BFF;
	s22 =	sshll.u32 s6, $0x1;
	s3 =	sadd.s32 s4, s20  }
0x14: {  	s7 =	simm.s32 $0x0;
	s21 =	sshll.u32 s5, $0x1;
	s5 =	sadd.s32 s22, s3  }
0x15: {  	[timem:s7], [sflag:s23] =	dma.local [hbm:s5], s21  }
0x16: {  	_ =	swait.ge [sflag:s23], s21  }
0x17: {  	s4 =	ssub.s32 $0x0, s21;
	[sflag:s23] =	ssyncset.done $0x0  }
0x18: {  	[sflag:s23] =	ssyncadd.s32 s4;
	_ =	sdelay $0x1  }
0x19: {  	s24 =	simm.s32 $0x1B8B  }
0x1a: {  	_ =	swait.ge [sflag:s24], $0x1  }
0x1b: {  	[sflag:s24] =	ssyncset.done $0x0  }
0x1c: {  	s26 =	simm.s32 $0x1B8E;
	s25 =	sld [smem:$0x3FFE];
	[sflag:s24] =	ssyncadd.s32 $0xFFFFFFFF  }
0x1d: {  	s27 =	simm.s32 $execute0_lowered;
	[smem:$0x3FD2] =	sst s26  }
0x1e: {  	s5 =	sshll.u32 s27, $0x1;
	_ =	strace $0x80000049;
	[dreg:$0x1] =	wrdreg $0xFFFFFFFF  }
0x1f: {  	s28 =	simm.s32 $_size_execute0_lowered;
	s3 =	sadd.s32 s3, s5;
	[dreg:$0x0] =	wrdreg $0x0  }
0x20: {  	s5 =	sshll.u32 s28, $0x1;
	[dreg:$0x2] =	wrdreg s3  }
0x21: {  	[dreg:$0x3] =	wrdreg s5  }
0x22: {  	[dreg:$0x4] =	wrdreg $0xC0  }
0x23: {  	_ =	task [dreg:s7], $0x5FFFF  }
0x24: {  	[dreg:$0x1] =	wrdreg $0xFFFFFFFF  }
0x25: {  	[dreg:$0x0] =	wrdreg $0x60  }
0x26: {  	[dreg:$0x2] =	wrdreg s25  }
0x27: {  	[dreg:$0x3] =	wrdreg s2  }
0x28: {  	[dreg:$0x4] =	wrdreg $0x9  }
0x29: {  	_ =	task.clear_ibuf [dreg:s7], $0x5FFFF;
	_ =	strace $0x90000049  }
0x2a: {  	s29 =	simm.s32 $0x9;
	_ =	strace $0x8000004B  }
0x2b: {  	_ =	swait.ge [sflag:s29], $0x1  }
0x2c: {  	[sflag:s29] =	ssyncadd.s32 $0xFFFFFFFF  }
0x2d: {  	_ =	strace $0x9000004B  }
0x2e: {  	_ =	sfence  }
0x2f: {  	s30 =	sld [smem:$0x0];
	_ =	sdelay $0x2  }
0x30: {  	s31 =	sshll.u32 s1, $0xD;
	s1 =	sshrl.u32 s1, $0x2  }
0x31: {  	s3 =	sand.u32 $0x4000, s31;
	s1 =	sadd.s32 s1, s30  }
0x32: {  	s0 =	sor.u32 s3, s0;
	s1 =	sshll.u32 s1, $0x11  }
0x33: {  	s0 =	sor.u32 s1, s0  }
0x34: {  	s0 =	sadd.s32 $0x8F2B, s0  }
0x35: {  	[sflag:s0] =	ssyncadd.remote.s32 $0x1  }
0x36: {  	_ =	sfence.sel $0xFFFF  }
0x37: {  	[dreg:$0x0] =	wrdreg $0xFFFFFFFF;
	(pc) =	sbr.abs _section_cstart, $3  }
0x38: {  	[dreg:$0x1] =	wrdreg $0xFFFFFFFF  }
0x39: {  	_ =	task.clear_ibuf [dreg:s7], $0x2FFFF;
	_ =	strace $0x9FFFFFFF  }
0x3a: {  	(tm) =	ssettm $0x7FFFFFFF  }
0x3b: {  	_ =	shalt  }
tec
execute0_lowered:
.L_overlay_start_1:
0x0: {  	(tag) =	ssettag $0x1  }
0x1: {  	s0 =	srdreg.scid  }
0x2: {  	s1 =	sshll.u32 s0, $0x4  }
0x3: {  	s0 =	stileid.u32;
	s1 =	sand.u32 $0x10, s1  }
0x4: {  	s1 =	sor.u32 s0, s1  }
0x5: {  	s6 =	rddreg [dreg:$0x0];
	s4 =	simm.s32 $0x1;
	s2 =	sshll.u32 s1, $0x7  }
0x6: {  	s7 =	simm.s32 $0x2;
	s12 =	simm.s32 $0x0;
	s1 =	ssub.s32 $0x1000, s2  }
0x7: {  	s8 =	simm.s32 $0x8000;
	s13 =	simm.s32 $0x0;
	s3 =	sand.u32 $0xF80, s1  }
0x8: {  	s9 =	simm.s32 $0x0;
	s5 =	sshrl.u32 s1, $0xC;
	p0 =	sne.s32 s3, $0x0  }
.Ltmp0:
0x9: {  	s1 =	rddreg [dreg:$0x2];
	s4 =	simm.s32 @!p0 $0x0;
	(pc) =	sbr.rel .LBB1_1-.Ltmp0, $4  }
0xa: {  	s11 =	simm.s32 $0x0;
	s3 =	rddreg [dreg:$0x1];
	s5 =	sadd.s32 s4, s5  }
0xb: {  	_ =	strace $0x8000004A;
	s4 =	simm.s32 $0x1;
	s5 =	smul.u32 $0x32, s5  }
0xc: {  	s6 =	sadd.s32 $0xA00, s6;
	s10 =	smov.u32 s2;
	[sflag:s4] =	ssyncpa.u1 $0x0  }
0xd: {  	p0 =	por $0x0, $0x0;
	[sflag:s7] =	ssyncpa.u1 $0x0;
	s7 =	sor.u32 $0x1, s5  }
.LBB1_4:
0xe: {  	s16 =	sshll.u32 s13, $0x3;
	s17 =	sand.u32 $0x78, s13  }
0xf: {  	s30 =	sand.u32 $0x7E00, s13;
	s12 =	sshll.u32 s12, $0xF;
	s16 =	sand.u32 $0xC00, s16  }
0x10: {  	[tilespmem:s15+$0x810 ss:$0x81] =	vst.msk $0xffff, v2;
	s31 =	sand.u32 $0x7, s13;
	s16 =	sor.u32 s17, s16;
	s17 =	sadd.s32 s3, s30  }
0x11: {  	[tilespmem:s15+$0x1020 ss:$0x81] =	vst.msk $0xffff, v0;
	s13 =	sshll.u32 s31, $0x12;
	s12 =	sadd.s32 s12, s17;
	s16 =	sshrl.u32 s16, $0x3  }
0x12: {  	[tilespmem:s15+$0x0 ss:$0x81] =	vst.msk $0xffff, v1;
	s13 =	sor.u32 $0x400, s13;
	s12 =	sadd.s32 s16, s12  }
0x13: {  	[hbm4b:s12+s13] =	stream.strided.scatter [tilespmem:s14], [sflag:$0x2], $0x2000, s8, s13, $0x20;
	[tilespmem:$0x8080] =	vst v63  }
.LBB1_5:
0x14: {  	s14 =	sadd.s32 $0x1, s9  }
0x15: {  	s12 =	sadd.s32 $0x1000, s10;
	s16 =	smov.u32 s10;
	p2 =	sgt.s32 s14, $0x31  }
0x16: {  	s16 =	smov.u32 @p2 s12  }
0x17: {  	s14 =	simm.s32 @p2 $0x0;
	p2 =	sgt.s32 s16, $0xFFF  }
0x18: {  	s16 =	smov.u32 @p2 s2;
	p2 =	sne.s32 s11, s7  }
.Ltmp1:
0x19: {  	p1 =	slt.u32 s11, $0x2;
	(pc) =	sbr.rel @!p2 .LBB1_6-.Ltmp1, $4  }
0x1a: {  	s15 =	simm.s32 @!p1 $0x2  }
0x1b: {  	s13 =	smov.u32 s10;
	p0 =	por !p0, !p0;
	_ =	swait.ge @!p1 [sflag:s15], $0x2000  }
0x1c: {  	s12 =	smov.u32 s9;
	[sflag:s15] =	ssyncset.done @!p1 $0x0;
	s9 =	smov.u32 s14  }
0x1d: {  	s11 =	sadd.s32 $0x1, s11;
	[sflag:s15] =	ssyncadd.s32 @!p1 $0xFFFFE000;
	s10 =	smov.u32 s16  }
.LBB1_1:
0x1e: {  	p1 =	sge.u32 s11, s5  }
0x1f: {  	s14 =	sand.u32 @!p1 $0x1FFFFFF, s9  }
0x20: {  	s15 =	smulhi.u32 @!p1 $0x4924925, s14;
	_ =	sdelay $0x1  }
0x21: {  	s15 =	smul.u32 @!p1 $0x38, s15  }
0x22: {  	s16 =	sxor.u32 @!p1 $0xFFFFFFFF, s11;
	s17 =	smul.u32 @!p1 $0x380, s10  }
0x23: {  	s31 =	sadd.s32 $0xFFFFFFFF, s11;
	s16 =	sshll.u32 @!p1 s16, $0xD;
	s14 =	ssub.s32 @!p1 s14, s15  }
0x24: {  	s15 =	sand.u32 @!p1 $0x2000, s16;
	s16 =	sadd.s32 @!p1 s6, s17;
	s14 =	sshll.u32 @!p1 s14, $0x4  }
0x25: {  	s17 =	simm.s32 @!p1 $0x1C00;
	s14 =	sadd.s32 @!p1 s14, s16;
	s16 =	simm.s32 @!p1 $0x40  }
0x26: {  	[tilespmem:s15], [sflag:$0x1] =	stream.strided.gather @!p1 [hbm4b:s14+s16], $0x2000, s17, s16, $0x38;
	[tilespmem:$0x8080] =	vst v63  }
0x27: {  	p1 =	sge.u32 s31, s5  }
.Ltmp2:
0x28: {  	_ = 	snop;
	(pc) =	sbr.rel @p1 .LBB1_5-.Ltmp2, $1  }
0x29: {  	_ =	sdelay $0x3  }
0x2a: {  	s14 =	simm.s32 $0x1  }
0x2b: {  	_ =	swait.ge [sflag:s4], $0x2000;
	s14 =	simm.s32 @!p0 $0x0  }
0x2c: {  	[sflag:s4] =	ssyncset.done $0x0;
	s15 =	sshll.u32 s14, $0xD  }
0x2d: {  	[sflag:s4] =	ssyncadd.s32 $0xFFFFE000;
	s18 =	sor.u32 $0x20, s15  }
0x2e: {  	s14 =	smul.u32 $0x8100, s14;
	v3 =	vld [tilespmem:s18+$0x10]  }
0x2f: {  	s30 =	sand.u32 $0x1, s11;
	v2 =	vld [tilespmem:s18+$0xFFFFFFF0]  }
0x30: {  	s15 =	smul.u32 $0x8100, s30;
	s14 =	sshrl.u32 s14, $0x2;
	v0 =	vld [tilespmem:s18+$0x0]  }
0x31: {  	v1 =	vld [tilespmem:s18+$0xFFFFFFE0];
	s16 =	sor.u32 $0x4000, s14  }
0x32: {  	s31 =	sshrl.u32 s15, $0x2;
	s15 =	sadd.s32 $0x0, s16  }
0x33: {  	s17 =	simm.s32 $0x4;
	s18 =	sadd.s32 $0x40, s18;
	s14 =	sor.u32 $0x4000, s31;
	[tilespmem:s15+$0x1830 ss:$0x81] =	vst.msk $0xffff, v3  }
.LBB1_3:
0x34: {  	v3 =	vld [tilespmem:s18+$0x10];
	p1 =	sne.s32 s17, $0x1FC;
	[tilespmem:s15+$0x810 ss:$0x81] =	vst.msk $0xffff, v2;
	s19 =	smov.u32 s17;
	s17 =	sadd.s32 $0x4, s17  }
.Ltmp3:
0x35: {  	v2 =	vld [tilespmem:s18+$0xFFFFFFF0];
	[tilespmem:s15+$0x1020 ss:$0x81] =	vst.msk $0xffff, v0;
	(pc) =	sbr.rel @p1 .LBB1_3-.Ltmp3, $4  }
0x36: {  	v0 =	vld [tilespmem:s18+$0x0];
	[tilespmem:s15+$0x0 ss:$0x81] =	vst.msk $0xffff, v1  }
0x37: {  	s15 =	sshra.s32 s19, $0x2;
	v1 =	vld [tilespmem:s18+$0xFFFFFFE0]  }
0x38: {  	s15 =	sadd.s32 s15, s16  }
0x39: {  	s18 =	sadd.s32 $0x40, s18;
	[tilespmem:s15+$0x1830 ss:$0x81] =	vst.msk $0xffff, v3  }
.Ltmp4:
0x3a: {  	_ = 	snop;
	(pc) =	sbr.rel .LBB1_4-.Ltmp4, $1  }
0x3b: {  	_ =	sdelay $0x3  }
.LBB1_6:
0x3c: {  	_ =	sfence.sel $0x180000  }
0x3d: {  	s2 =	simm.s32 $0x1;
	[bflag:$0x0] =	sbarrier.arrive $0xFFFF  }
0x3e: {  	s31 =	simm.s32 $0x2;
	[sflag:s2] =	ssyncpa.u1 $0x1  }
0x3f: {  	[sflag:s31] =	ssyncpa.u1 $0x1  }
0x40: {  	p0 =	sne.s32 s0, $0x0;
	_ =	strace $0x9000004A  }
0x41: {  	s0 =	sadd.s32 @!p0 $0x100000, s1;
	[bflag:$0x2] =	sbarrier.arrive $0xFFFF  }
0x42: {  	[sflag:s0] =	ssyncadd.tile.s32 @!p0 $0x1;
	_ =	shalt  }
.Lfunc_end1:
_tile_overlayer_lowered:
.L_overlay_start_2:
0x43: {  	(tag) =	ssettag $0x2  }
0x44: {  	s0 =	rddreg [dreg:$0x0];
	s2 =	stileid.u32  }
0x45: {  	s1 =	rddreg [dreg:$0x1];
	p0 =	sne.s32 s2, $0x0  }
0x46: {  	s3 =	rddreg [dreg:$0x2];
	[bflag:$0x3] =	sbarrier.arrive $0xFFFF;
	s2 =	simm.s32 @!p0 $0x1C01  }
0x47: {  	[timem:s3], [sflag:s2] =	dma.local @!p0 [hbm:s0], s1  }
0x48: {  	s0 =	simm.s32 @!p0 $0x1  }
0x49: {  	_ =	swait.ge @!p0 [sflag:s0], s1  }
0x4a: {  	s1 =	ssub.s32 @!p0 $0x0, s1;
	[sflag:s0] =	ssyncset.done @!p0 $0x0  }
0x4b: {  	[sflag:s0] =	ssyncadd.s32 @!p0 s1  }
0x4c: {  	[bflag:$0x3] =	sbarrier.arrive $0xFFFF  }
0x4d: {  	_ =	shalt  }

</sc_bundles>
